<compile_context>
chip_gen: v7x
topology: tpu7x:2x2x1
jax: 0.10.2.dev20260603
libtpu: 0.0.44.dev20260713+nightly
codegen_flags: <defaults>
</compile_context>

<pallas_src>
import functools

import jax
import jax.numpy as jnp
from jax import lax
from jax.experimental import pallas as pl
from jax.experimental.pallas import tpu as pltpu
from jax.experimental.pallas import tpu_sc as plsc

N = 10000
E = 320000
DI = 128
DO = 64
CNTW = 16
K = 80

NC = 2
NS = 16
NW = NC * NS
EPW = E // NW
NCH = -(-EPW // K)
EPP = NCH * K
NP = 10240
RPT = NP // NS
NBUF = 6
DEPTH = 3
CR = EPW // CNTW
CPC = CR // NCH


def _sc_segment_sum(with_count):
    mesh = plsc.VectorSubcoreMesh(core_axis_name="c", subcore_axis_name="s")

    out_type = [jax.ShapeDtypeStruct((NC, NP, DO), jnp.float32)]
    scratch = [
        pltpu.VMEM((NCH, K), jnp.int32),
        pltpu.VMEM((NCH, K), jnp.int32),
        pltpu.VMEM((NBUF, K, DO), jnp.float32),
        pltpu.VMEM_SHARED((NP, DO), jnp.float32),
        pltpu.SemaphoreType.DMA((NBUF,)),
        pltpu.SemaphoreType.DMA((NBUF,)),
    ]
    if with_count:
        out_type.append(jax.ShapeDtypeStruct((NW, CR, CNTW), jnp.float32))
        scratch += [
            pltpu.VMEM((CR, CNTW), jnp.float32),
        ]

    @functools.partial(
        pl.kernel, out_type=out_type, mesh=mesh, scratch_types=scratch,
        compiler_params=pltpu.CompilerParams(use_tc_tiling_on_sc=False,
                                             needs_layout_passes=False))
    def body(*refs):
        if with_count:
            (table, srcs, dsts, z64, zc,
             out_acc, out_cnt,
             src_v, dst_v, rows, acc_sh, gsem, ssem, cntb) = refs
        else:
            (table, srcs, dsts, z64,
             out_acc,
             src_v, dst_v, rows, acc_sh, gsem, ssem) = refs

        cid = lax.axis_index("c")
        sid = lax.axis_index("s")
        tile = cid * NS + sid
        rbase = sid * RPT

        pltpu.sync_copy(srcs.at[tile], src_v)
        pltpu.sync_copy(dsts.at[tile], dst_v)
        pltpu.sync_copy(z64.at[pl.ds(rbase, RPT)],
                        acc_sh.at[pl.ds(rbase, RPT)])
        if with_count:
            pltpu.sync_copy(zc, cntb)
            ones_v = jnp.full((CNTW,), 1.0, jnp.float32)
        plsc.subcore_barrier()

        def issue_gather(j):
            b = lax.rem(j, NBUF) if isinstance(j, jax.Array) else j % NBUF
            pltpu.async_copy(table.at[src_v.at[j]], rows.at[b], gsem.at[b])

        def wait_gather(j):
            b = lax.rem(j, NBUF) if isinstance(j, jax.Array) else j % NBUF
            pltpu.make_async_copy(table.at[src_v.at[j]], rows.at[b],
                                  gsem.at[b]).wait()

        def issue_scatter(j):
            b = lax.rem(j, NBUF) if isinstance(j, jax.Array) else j % NBUF
            pltpu.async_copy(rows.at[b], acc_sh.at[dst_v.at[j]], ssem.at[b],
                             add=True)

        def wait_scatter(j):
            b = lax.rem(j, NBUF) if isinstance(j, jax.Array) else j % NBUF
            pltpu.make_async_copy(rows.at[b], acc_sh.at[dst_v.at[j]],
                                  ssem.at[b]).wait()

        for jj in range(DEPTH):
            issue_gather(jj)

        LAG = NBUF - DEPTH

        def step(j, carry):
            @pl.when(j >= LAG)
            def _():
                wait_scatter(j - LAG)

            @pl.when(j + DEPTH < NCH)
            def _():
                issue_gather(j + DEPTH)
            wait_gather(j)
            issue_scatter(j)
            if with_count:
                for t in range(CPC):
                    d = dst_v[j, pl.ds(t * CNTW, CNTW)]
                    row = lax.shift_right_logical(d, 4)
                    col = lax.bitwise_and(d, 15)
                    plsc.addupdate_scatter(cntb, [row, col], ones_v)
            return carry

        lax.fori_loop(0, NCH, step, 0)
        for js in range(NCH - LAG, NCH):
            wait_scatter(js)

        if with_count:
            pltpu.sync_copy(cntb, out_cnt.at[tile])
        plsc.subcore_barrier()

        pltpu.sync_copy(acc_sh.at[pl.ds(rbase, RPT)],
                        out_acc.at[cid, pl.ds(rbase, RPT)])

    return body


_sc_pass1 = _sc_segment_sum(with_count=True)
_sc_pass2 = _sc_segment_sum(with_count=False)

_B = 2000


def _tc_a_body(x_ref, wl_ref, wr_ref, b1_ref, p_ref, r1_ref):
    xb = x_ref[...]
    p_ref[...] = jnp.dot(xb, wl_ref[...], preferred_element_type=jnp.float32)
    r1_ref[...] = (jnp.dot(xb, wr_ref[...], preferred_element_type=jnp.float32)
                   + b1_ref[...])


def _tc_b_body(acc_ref, cnt_ref, r1_ref, w2r_ref, b2_ref, h_ref, r2_ref):
    s = acc_ref[0] + acc_ref[1]
    c = jnp.sum(cnt_ref[...], axis=1)[:, None]
    inv = 1.0 / jnp.maximum(c, 1.0)
    h = jnp.maximum(s * inv + r1_ref[...], 0.0)
    h_ref[...] = h
    r2_ref[...] = (jnp.dot(h, w2r_ref[...], preferred_element_type=jnp.float32)
                   + b2_ref[...])


def _tc_c_body(acc_ref, cnt_ref, w2l_ref, r2_ref, out_ref):
    s = acc_ref[0] + acc_ref[1]
    c = jnp.sum(cnt_ref[...], axis=1)[:, None]
    mean2 = s / jnp.maximum(c, 1.0)
    out_ref[...] = (jnp.dot(mean2, w2l_ref[...],
                            preferred_element_type=jnp.float32) + r2_ref[...])


def _row_block(d):
    return pl.BlockSpec((_B, d), lambda i: (i, 0))


def _const_block(shape):
    return pl.BlockSpec(shape, lambda i: tuple(0 for _ in shape))


_GRID = N // _B

_tc_a = pl.pallas_call(
    _tc_a_body,
    grid=(_GRID,),
    in_specs=[_row_block(DI), _const_block((DI, DO)), _const_block((DI, DO)),
              _const_block((1, DO))],
    out_specs=[_row_block(DO), _row_block(DO)],
    out_shape=[jax.ShapeDtypeStruct((N, DO), jnp.float32),
               jax.ShapeDtypeStruct((N, DO), jnp.float32)],
)

_acc_block = pl.BlockSpec((NC, _B, DO), lambda i: (0, i, 0))
_cnt_block = pl.BlockSpec((_B, NW), lambda i: (i, 0))

_tc_b = pl.pallas_call(
    _tc_b_body,
    grid=(_GRID,),
    in_specs=[_acc_block, _cnt_block, _row_block(DO), _const_block((DO, DI)),
              _const_block((1, DI))],
    out_specs=[_row_block(DO), _row_block(DI)],
    out_shape=[jax.ShapeDtypeStruct((N, DO), jnp.float32),
               jax.ShapeDtypeStruct((N, DI), jnp.float32)],
)

_tc_c = pl.pallas_call(
    _tc_c_body,
    grid=(_GRID,),
    in_specs=[_acc_block, _cnt_block, _const_block((DO, DI)), _row_block(DI)],
    out_specs=_row_block(DI),
    out_shape=jax.ShapeDtypeStruct((N, DI), jnp.float32),
)


def kernel(x, edge_index, W1_l, b1, W1_r, W2_l, b2, W2_r):
    x = x.astype(jnp.float32)
    ei = edge_index.astype(jnp.int32)
    pad = jnp.zeros((NW, EPP - EPW), jnp.int32)
    src = jnp.concatenate([ei[0].reshape(NW, EPW), pad], axis=1)
    src = src.reshape(NW, NCH, K)
    dst = jnp.concatenate([ei[1].reshape(NW, EPW), pad + N], axis=1)
    dst = dst.reshape(NW, NCH, K)
    z64 = jnp.zeros((NP, DO), jnp.float32)
    zc = jnp.zeros((CR, CNTW), jnp.float32)

    p, r1 = _tc_a(x, W1_l.T, W1_r.T, b1.reshape(1, DO))
    acc1, cnt = _sc_pass1(p, src, dst, z64, zc)
    cnt2 = cnt.reshape(NW, N).T
    h, r2 = _tc_b(acc1, cnt2, r1, W2_r.T, b2.reshape(1, DI))
    (acc2,) = _sc_pass2(h, src, dst, z64)
    out = _tc_c(acc2, cnt2, W2_l.T, r2)
    return out

# --- scband reference (transcript-rebuilt; emitter-appended) ---
"""Pipeline reference for scband-gcnencoder-79078937854246 (READ-ONLY COPY).

The authoritative reference and input builder live on the scoring server;
editing this copy changes nothing except your own understanding.
"""

import jax, jax.numpy as jnp
import numpy as np

N_NODES = 10000
N_EDGES = 320000
D_IN = 128
D_OUT = 64


def setup_inputs(seed: int = 0) -> dict:
    key = jax.random.key(seed)
    ks = jax.random.split(key, 8)
    x = jax.random.normal(ks[0], (N_NODES, D_IN), dtype=jnp.float32)
    edge_index = jax.random.randint(ks[1], (2, N_EDGES), 0, N_NODES, dtype=jnp.int64 if jax.config.jax_enable_x64 else jnp.int32)
    # SAGEConv params (PyG convention): lin_l (applied to aggregated neighbors, has bias),
    # lin_r (applied to root, no bias)
    s1 = 1.0 / np.sqrt(D_IN)
    s2 = 1.0 / np.sqrt(D_OUT)
    W1_l = jax.random.uniform(ks[2], (D_OUT, D_IN), minval=-s1, maxval=s1, dtype=jnp.float32)
    b1 = jnp.zeros((D_OUT,), dtype=jnp.float32)
    W1_r = jax.random.uniform(ks[3], (D_OUT, D_IN), minval=-s1, maxval=s1, dtype=jnp.float32)
    W2_l = jax.random.uniform(ks[4], (D_IN, D_OUT), minval=-s2, maxval=s2, dtype=jnp.float32)
    b2 = jnp.zeros((D_IN,), dtype=jnp.float32)
    W2_r = jax.random.uniform(ks[5], (D_IN, D_OUT), minval=-s2, maxval=s2, dtype=jnp.float32)
    return {"x": x, "edge_index": edge_index, "W1_l": W1_l, "b1": b1, "W1_r": W1_r,
            "W2_l": W2_l, "b2": b2, "W2_r": W2_r}


def _sage_conv(x, edge_index, W_l, b_l, W_r):
    src = edge_index[0]
    dst = edge_index[1]
    msg = jnp.take(x, src, axis=0)  # gather neighbor features
    agg = jax.ops.segment_sum(msg, dst, num_segments=N_NODES)
    cnt = jax.ops.segment_sum(jnp.ones((msg.shape[0],), dtype=x.dtype), dst, num_segments=N_NODES)
    mean = agg / jnp.clip(cnt, 1.0, None)[:, None]
    return mean @ W_l.T + b_l + x @ W_r.T


def reference(x, edge_index, W1_l, b1, W1_r, W2_l, b2, W2_r):
    x = x.astype(jnp.float32)
    h = _sage_conv(x, edge_index, W1_l, b1, W1_r)
    h = jax.nn.relu(h)
    out = _sage_conv(h, edge_index, W2_l, b2, W2_r)
    return out

if __name__ == "__main__":
    import jax
    _d = setup_inputs()
    print(jax.jit(kernel)(*tuple(_d.values())))

</pallas_src>

<mosaic_0001>
#map = affine_map<(d0, d1) -> (0, 0)>
#map1 = affine_map<(d0, d1) -> (0, 0, 0)>
module attributes {stable_mosaic.version = 14 : i64} {
  func.func @body(%arg0: i32, %arg1: i32, %arg2: memref<10000x64xf32, #tpu.memory_space<hbm>>, %arg3: memref<32x125x80xi32, #tpu.memory_space<hbm>>, %arg4: memref<32x125x80xi32, #tpu.memory_space<hbm>>, %arg5: memref<10240x64xf32, #tpu.memory_space<hbm>>, %arg6: memref<2x10240x64xf32, #tpu.memory_space<hbm>>, %arg7: memref<125x80xi32, #tpu.memory_space<vmem>>, %arg8: memref<125x80xi32, #tpu.memory_space<vmem>>, %arg9: memref<6x80x64xf32, #tpu.memory_space<vmem>>, %arg10: memref<10240x64xf32, #tpu.memory_space<vmem_shared>>, %arg11: memref<6x!tpu.dma_semaphore, #tpu.memory_space<semaphore_mem>>, %arg12: memref<6x!tpu.dma_semaphore, #tpu.memory_space<semaphore_mem>>) attributes {dimension_semantics = [#tpu.dimension_semantics<core_parallel>, #tpu.dimension_semantics<subcore_parallel>], iteration_bounds = array<i64: 2, 16>, scalar_prefetch = 0 : i64, scratch_operands = 6 : i64, tpu.core_type = #tpu.core_type<sc_vector_subcore>, window_params = [{transform_indices = #map}, {transform_indices = #map1}, {transform_indices = #map1}, {transform_indices = #map}, {transform_indices = #map1}]} {
    %mul3A = arith.constant 16 : i32
    %mul3A_0 = arith.muli %arg0, %mul3A : i32
    %add3A = arith.addi %mul3A_0, %arg1 : i32
    %mul3A_1 = arith.constant 640 : i32
    %mul3A_2 = arith.muli %arg1, %mul3A_1 : i32
    "tpu.region"() ({
      %run_scoped3A = tpu.sem_alloc : memref<!tpu.dma_semaphore, #tpu.memory_space<semaphore_mem>>
      %dma_start3A_97 = arith.constant 0 : i32
      %dma_start3A_98 = arith.constant 0 : i32
      %dma_start3A_99 = tpu.memref_slice %arg3[%add3A, %dma_start3A_97, %dma_start3A_98] : memref<32x125x80xi32, #tpu.memory_space<hbm>> -> memref<1x125x80xi32, #tpu.memory_space<hbm>>
      %dma_start3A_100 = tpu.memref_squeeze %dma_start3A_99 : memref<1x125x80xi32, #tpu.memory_space<hbm>> -> memref<125x80xi32, #tpu.memory_space<hbm>>
      %dma_start3A_101 = arith.constant 0 : i32
      %dma_start3A_102 = arith.constant 0 : i32
      %dma_start3A_103 = tpu.memref_slice %arg3[%add3A, %dma_start3A_101, %dma_start3A_102] : memref<32x125x80xi32, #tpu.memory_space<hbm>> -> memref<1x125x80xi32, #tpu.memory_space<hbm>>
      %dma_start3A_104 = tpu.memref_squeeze %dma_start3A_103 : memref<1x125x80xi32, #tpu.memory_space<hbm>> -> memref<125x80xi32, #tpu.memory_space<hbm>>
      tpu.enqueue_dma source(%dma_start3A_104 : memref<125x80xi32, #tpu.memory_space<hbm>>) target(%arg7 : memref<125x80xi32, #tpu.memory_space<vmem>>) target_semaphore(%run_scoped3A : memref<!tpu.dma_semaphore, #tpu.memory_space<semaphore_mem>>)
      %dma_wait3A_105 = arith.constant 0 : i32
      %dma_wait3A_106 = arith.constant 0 : i32
      %dma_wait3A_107 = tpu.memref_slice %arg3[%add3A, %dma_wait3A_105, %dma_wait3A_106] : memref<32x125x80xi32, #tpu.memory_space<hbm>> -> memref<1x125x80xi32, #tpu.memory_space<hbm>>
      %dma_wait3A_108 = tpu.memref_squeeze %dma_wait3A_107 : memref<1x125x80xi32, #tpu.memory_space<hbm>> -> memref<125x80xi32, #tpu.memory_space<hbm>>
      %dma_wait3A_109 = arith.constant 0 : i32
      %dma_wait3A_110 = arith.constant 0 : i32
      %dma_wait3A_111 = tpu.memref_slice %arg3[%add3A, %dma_wait3A_109, %dma_wait3A_110] : memref<32x125x80xi32, #tpu.memory_space<hbm>> -> memref<1x125x80xi32, #tpu.memory_space<hbm>>
      %dma_wait3A_112 = tpu.memref_squeeze %dma_wait3A_111 : memref<1x125x80xi32, #tpu.memory_space<hbm>> -> memref<125x80xi32, #tpu.memory_space<hbm>>
      tpu.wait_dma2 semaphore(%run_scoped3A : memref<!tpu.dma_semaphore, #tpu.memory_space<semaphore_mem>>) src(%dma_wait3A_112 : memref<125x80xi32, #tpu.memory_space<hbm>>) dst(%arg7 : memref<125x80xi32, #tpu.memory_space<vmem>>)
      tpu.yield
    }) : () -> ()
    "tpu.region"() ({
      %run_scoped3A = tpu.sem_alloc : memref<!tpu.dma_semaphore, #tpu.memory_space<semaphore_mem>>
      %dma_start3A_97 = arith.constant 0 : i32
      %dma_start3A_98 = arith.constant 0 : i32
      %dma_start3A_99 = tpu.memref_slice %arg4[%add3A, %dma_start3A_97, %dma_start3A_98] : memref<32x125x80xi32, #tpu.memory_space<hbm>> -> memref<1x125x80xi32, #tpu.memory_space<hbm>>
      %dma_start3A_100 = tpu.memref_squeeze %dma_start3A_99 : memref<1x125x80xi32, #tpu.memory_space<hbm>> -> memref<125x80xi32, #tpu.memory_space<hbm>>
      %dma_start3A_101 = arith.constant 0 : i32
      %dma_start3A_102 = arith.constant 0 : i32
      %dma_start3A_103 = tpu.memref_slice %arg4[%add3A, %dma_start3A_101, %dma_start3A_102] : memref<32x125x80xi32, #tpu.memory_space<hbm>> -> memref<1x125x80xi32, #tpu.memory_space<hbm>>
      %dma_start3A_104 = tpu.memref_squeeze %dma_start3A_103 : memref<1x125x80xi32, #tpu.memory_space<hbm>> -> memref<125x80xi32, #tpu.memory_space<hbm>>
      tpu.enqueue_dma source(%dma_start3A_104 : memref<125x80xi32, #tpu.memory_space<hbm>>) target(%arg8 : memref<125x80xi32, #tpu.memory_space<vmem>>) target_semaphore(%run_scoped3A : memref<!tpu.dma_semaphore, #tpu.memory_space<semaphore_mem>>)
      %dma_wait3A_105 = arith.constant 0 : i32
      %dma_wait3A_106 = arith.constant 0 : i32
      %dma_wait3A_107 = tpu.memref_slice %arg4[%add3A, %dma_wait3A_105, %dma_wait3A_106] : memref<32x125x80xi32, #tpu.memory_space<hbm>> -> memref<1x125x80xi32, #tpu.memory_space<hbm>>
      %dma_wait3A_108 = tpu.memref_squeeze %dma_wait3A_107 : memref<1x125x80xi32, #tpu.memory_space<hbm>> -> memref<125x80xi32, #tpu.memory_space<hbm>>
      %dma_wait3A_109 = arith.constant 0 : i32
      %dma_wait3A_110 = arith.constant 0 : i32
      %dma_wait3A_111 = tpu.memref_slice %arg4[%add3A, %dma_wait3A_109, %dma_wait3A_110] : memref<32x125x80xi32, #tpu.memory_space<hbm>> -> memref<1x125x80xi32, #tpu.memory_space<hbm>>
      %dma_wait3A_112 = tpu.memref_squeeze %dma_wait3A_111 : memref<1x125x80xi32, #tpu.memory_space<hbm>> -> memref<125x80xi32, #tpu.memory_space<hbm>>
      tpu.wait_dma2 semaphore(%run_scoped3A : memref<!tpu.dma_semaphore, #tpu.memory_space<semaphore_mem>>) src(%dma_wait3A_112 : memref<125x80xi32, #tpu.memory_space<hbm>>) dst(%arg8 : memref<125x80xi32, #tpu.memory_space<vmem>>)
      tpu.yield
    }) : () -> ()
    "tpu.region"() ({
      %run_scoped3A = tpu.sem_alloc : memref<!tpu.dma_semaphore, #tpu.memory_space<semaphore_mem>>
      %dma_start3A_97 = arith.constant 0 : i32
      %dma_start3A_98 = tpu.memref_slice %arg10[%mul3A_2, %dma_start3A_97] : memref<10240x64xf32, #tpu.memory_space<vmem_shared>> -> memref<640x64xf32, #tpu.memory_space<vmem_shared>>
      %dma_start3A_99 = arith.constant 0 : i32
      %dma_start3A_100 = tpu.memref_slice %arg5[%mul3A_2, %dma_start3A_99] : memref<10240x64xf32, #tpu.memory_space<hbm>> -> memref<640x64xf32, #tpu.memory_space<hbm>>
      tpu.enqueue_dma source(%dma_start3A_100 : memref<640x64xf32, #tpu.memory_space<hbm>>) target(%dma_start3A_98 : memref<640x64xf32, #tpu.memory_space<vmem_shared>>) target_semaphore(%run_scoped3A : memref<!tpu.dma_semaphore, #tpu.memory_space<semaphore_mem>>)
      %dma_wait3A_101 = arith.constant 0 : i32
      %dma_wait3A_102 = tpu.memref_slice %arg10[%mul3A_2, %dma_wait3A_101] : memref<10240x64xf32, #tpu.memory_space<vmem_shared>> -> memref<640x64xf32, #tpu.memory_space<vmem_shared>>
      %dma_wait3A_103 = arith.constant 0 : i32
      %dma_wait3A_104 = tpu.memref_slice %arg5[%mul3A_2, %dma_wait3A_103] : memref<10240x64xf32, #tpu.memory_space<hbm>> -> memref<640x64xf32, #tpu.memory_space<hbm>>
      tpu.wait_dma2 semaphore(%run_scoped3A : memref<!tpu.dma_semaphore, #tpu.memory_space<semaphore_mem>>) src(%dma_wait3A_104 : memref<640x64xf32, #tpu.memory_space<hbm>>) dst(%dma_wait3A_102 : memref<640x64xf32, #tpu.memory_space<vmem_shared>>)
      tpu.yield
    }) : () -> ()
    %barrier3A = arith.constant 0 : index
    tpu.barrier barrier_id(%barrier3A)
    %dma_start3A = arith.constant 0 : i32
    %dma_start3A_3 = arith.constant 0 : i32
    %dma_start3A_4 = arith.constant 0 : i32
    %dma_start3A_5 = arith.constant 0 : i32
    %dma_start3A_6 = arith.constant 0 : i32
    %dma_start3A_7 = tpu.memref_slice %arg9[%dma_start3A_3, %dma_start3A_5, %dma_start3A_6] : memref<6x80x64xf32, #tpu.memory_space<vmem>> -> memref<1x80x64xf32, #tpu.memory_space<vmem>>
    %dma_start3A_8 = tpu.memref_squeeze %dma_start3A_7 : memref<1x80x64xf32, #tpu.memory_space<vmem>> -> memref<80x64xf32, #tpu.memory_space<vmem>>
    %dma_start3A_9 = arith.constant 0 : i32
    %dma_start3A_10 = tpu.memref_slice %arg7[%dma_start3A, %dma_start3A_9] : memref<125x80xi32, #tpu.memory_space<vmem>> -> memref<1x80xi32, #tpu.memory_space<vmem>>
    %dma_start3A_11 = tpu.memref_squeeze %dma_start3A_10 : memref<1x80xi32, #tpu.memory_space<vmem>> -> memref<80xi32, #tpu.memory_space<vmem>>
    %dma_start3A_12 = arith.constant 0 : i32
    %dma_start3A_13 = arith.constant 0 : i32
    %dma_start3A_14 = tpu.memref_slice %arg2[%dma_start3A_12, %dma_start3A_13] : memref<10000x64xf32, #tpu.memory_space<hbm>> -> memref<10000x64xf32, #tpu.memory_space<hbm>>
    %dma_start3A_15 = tpu.memref_slice %arg11[%dma_start3A_4] : memref<6x!tpu.dma_semaphore, #tpu.memory_space<semaphore_mem>> -> memref<1x!tpu.dma_semaphore, #tpu.memory_space<semaphore_mem>>
    %dma_start3A_16 = tpu.memref_squeeze %dma_start3A_15 : memref<1x!tpu.dma_semaphore, #tpu.memory_space<semaphore_mem>> -> memref<!tpu.dma_semaphore, #tpu.memory_space<semaphore_mem>>
    tpu.enqueue_indirect_dma source(%dma_start3A_14 : memref<10000x64xf32, #tpu.memory_space<hbm>>) target(%dma_start3A_8 : memref<80x64xf32, #tpu.memory_space<vmem>>) offsets(%dma_start3A_11 : memref<80xi32, #tpu.memory_space<vmem>>) semaphore(%dma_start3A_16 : memref<!tpu.dma_semaphore, #tpu.memory_space<semaphore_mem>>)
    %dma_start3A_17 = arith.constant 1 : i32
    %dma_start3A_18 = arith.constant 1 : i32
    %dma_start3A_19 = arith.constant 1 : i32
    %dma_start3A_20 = arith.constant 0 : i32
    %dma_start3A_21 = arith.constant 0 : i32
    %dma_start3A_22 = tpu.memref_slice %arg9[%dma_start3A_18, %dma_start3A_20, %dma_start3A_21] : memref<6x80x64xf32, #tpu.memory_space<vmem>> -> memref<1x80x64xf32, #tpu.memory_space<vmem>>
    %dma_start3A_23 = tpu.memref_squeeze %dma_start3A_22 : memref<1x80x64xf32, #tpu.memory_space<vmem>> -> memref<80x64xf32, #tpu.memory_space<vmem>>
    %dma_start3A_24 = arith.constant 0 : i32
    %dma_start3A_25 = tpu.memref_slice %arg7[%dma_start3A_17, %dma_start3A_24] : memref<125x80xi32, #tpu.memory_space<vmem>> -> memref<1x80xi32, #tpu.memory_space<vmem>>
    %dma_start3A_26 = tpu.memref_squeeze %dma_start3A_25 : memref<1x80xi32, #tpu.memory_space<vmem>> -> memref<80xi32, #tpu.memory_space<vmem>>
    %dma_start3A_27 = arith.constant 0 : i32
    %dma_start3A_28 = arith.constant 0 : i32
    %dma_start3A_29 = tpu.memref_slice %arg2[%dma_start3A_27, %dma_start3A_28] : memref<10000x64xf32, #tpu.memory_space<hbm>> -> memref<10000x64xf32, #tpu.memory_space<hbm>>
    %dma_start3A_30 = tpu.memref_slice %arg11[%dma_start3A_19] : memref<6x!tpu.dma_semaphore, #tpu.memory_space<semaphore_mem>> -> memref<1x!tpu.dma_semaphore, #tpu.memory_space<semaphore_mem>>
    %dma_start3A_31 = tpu.memref_squeeze %dma_start3A_30 : memref<1x!tpu.dma_semaphore, #tpu.memory_space<semaphore_mem>> -> memref<!tpu.dma_semaphore, #tpu.memory_space<semaphore_mem>>
    tpu.enqueue_indirect_dma source(%dma_start3A_29 : memref<10000x64xf32, #tpu.memory_space<hbm>>) target(%dma_start3A_23 : memref<80x64xf32, #tpu.memory_space<vmem>>) offsets(%dma_start3A_26 : memref<80xi32, #tpu.memory_space<vmem>>) semaphore(%dma_start3A_31 : memref<!tpu.dma_semaphore, #tpu.memory_space<semaphore_mem>>)
    %dma_start3A_32 = arith.constant 2 : i32
    %dma_start3A_33 = arith.constant 2 : i32
    %dma_start3A_34 = arith.constant 2 : i32
    %dma_start3A_35 = arith.constant 0 : i32
    %dma_start3A_36 = arith.constant 0 : i32
    %dma_start3A_37 = tpu.memref_slice %arg9[%dma_start3A_33, %dma_start3A_35, %dma_start3A_36] : memref<6x80x64xf32, #tpu.memory_space<vmem>> -> memref<1x80x64xf32, #tpu.memory_space<vmem>>
    %dma_start3A_38 = tpu.memref_squeeze %dma_start3A_37 : memref<1x80x64xf32, #tpu.memory_space<vmem>> -> memref<80x64xf32, #tpu.memory_space<vmem>>
    %dma_start3A_39 = arith.constant 0 : i32
    %dma_start3A_40 = tpu.memref_slice %arg7[%dma_start3A_32, %dma_start3A_39] : memref<125x80xi32, #tpu.memory_space<vmem>> -> memref<1x80xi32, #tpu.memory_space<vmem>>
    %dma_start3A_41 = tpu.memref_squeeze %dma_start3A_40 : memref<1x80xi32, #tpu.memory_space<vmem>> -> memref<80xi32, #tpu.memory_space<vmem>>
    %dma_start3A_42 = arith.constant 0 : i32
    %dma_start3A_43 = arith.constant 0 : i32
    %dma_start3A_44 = tpu.memref_slice %arg2[%dma_start3A_42, %dma_start3A_43] : memref<10000x64xf32, #tpu.memory_space<hbm>> -> memref<10000x64xf32, #tpu.memory_space<hbm>>
    %dma_start3A_45 = tpu.memref_slice %arg11[%dma_start3A_34] : memref<6x!tpu.dma_semaphore, #tpu.memory_space<semaphore_mem>> -> memref<1x!tpu.dma_semaphore, #tpu.memory_space<semaphore_mem>>
    %dma_start3A_46 = tpu.memref_squeeze %dma_start3A_45 : memref<1x!tpu.dma_semaphore, #tpu.memory_space<semaphore_mem>> -> memref<!tpu.dma_semaphore, #tpu.memory_space<semaphore_mem>>
    tpu.enqueue_indirect_dma source(%dma_start3A_44 : memref<10000x64xf32, #tpu.memory_space<hbm>>) target(%dma_start3A_38 : memref<80x64xf32, #tpu.memory_space<vmem>>) offsets(%dma_start3A_41 : memref<80xi32, #tpu.memory_space<vmem>>) semaphore(%dma_start3A_46 : memref<!tpu.dma_semaphore, #tpu.memory_space<semaphore_mem>>)
    %scan3A = arith.constant 0 : i32
    %scan3A_47 = arith.constant 0 : i32
    %scan3A_48 = arith.constant 125 : i32
    %scan3A_49 = arith.addi %scan3A_47, %scan3A_48 : i32
    %scan3A_50 = arith.constant 1 : i32
    scf.for %scan3A_97 = %scan3A_47 to %scan3A_49 step %scan3A_50  : i32 {
      %ge3A = arith.constant 3 : i32
      %ge3A_98 = arith.cmpi sge, %scan3A_97, %ge3A : i32
      %convert_element_type3A = arith.extui %ge3A_98 : i1 to i32
      %cond3A = arith.constant 0 : i32
      %cond3A_99 = arith.cmpi ne, %convert_element_type3A, %cond3A : i32
      scf.if %cond3A_99 {
        %sub3A = arith.constant 3 : i32
        %sub3A_133 = arith.subi %scan3A_97, %sub3A : i32
        %rem3A_134 = arith.constant 6 : i32
        %rem3A_135 = arith.remsi %sub3A_133, %rem3A_134 : i32
        %dma_wait3A_136 = arith.constant 0 : i32
        %dma_wait3A_137 = arith.constant 0 : i32
        %dma_wait3A_138 = tpu.memref_slice %arg9[%rem3A_135, %dma_wait3A_136, %dma_wait3A_137] : memref<6x80x64xf32, #tpu.memory_space<vmem>> -> memref<1x80x64xf32, #tpu.memory_space<vmem>>
        %dma_wait3A_139 = tpu.memref_squeeze %dma_wait3A_138 : memref<1x80x64xf32, #tpu.memory_space<vmem>> -> memref<80x64xf32, #tpu.memory_space<vmem>>
        %dma_wait3A_140 = arith.constant 0 : i32
        %dma_wait3A_141 = tpu.memref_slice %arg8[%sub3A_133, %dma_wait3A_140] : memref<125x80xi32, #tpu.memory_space<vmem>> -> memref<1x80xi32, #tpu.memory_space<vmem>>
        %dma_wait3A_142 = tpu.memref_squeeze %dma_wait3A_141 : memref<1x80xi32, #tpu.memory_space<vmem>> -> memref<80xi32, #tpu.memory_space<vmem>>
        %dma_wait3A_143 = arith.constant 0 : i32
        %dma_wait3A_144 = arith.constant 0 : i32
        %dma_wait3A_145 = tpu.memref_slice %arg10[%dma_wait3A_143, %dma_wait3A_144] : memref<10240x64xf32, #tpu.memory_space<vmem_shared>> -> memref<10240x64xf32, #tpu.memory_space<vmem_shared>>
        %dma_wait3A_146 = tpu.memref_slice %arg12[%rem3A_135] : memref<6x!tpu.dma_semaphore, #tpu.memory_space<semaphore_mem>> -> memref<1x!tpu.dma_semaphore, #tpu.memory_space<semaphore_mem>>
        %dma_wait3A_147 = tpu.memref_squeeze %dma_wait3A_146 : memref<1x!tpu.dma_semaphore, #tpu.memory_space<semaphore_mem>> -> memref<!tpu.dma_semaphore, #tpu.memory_space<semaphore_mem>>
        tpu.wait_indirect_dma semaphore(%dma_wait3A_147 : memref<!tpu.dma_semaphore, #tpu.memory_space<semaphore_mem>>) src(%dma_wait3A_139 : memref<80x64xf32, #tpu.memory_space<vmem>>) dst(%dma_wait3A_145 : memref<10240x64xf32, #tpu.memory_space<vmem_shared>>)
      } else {
      }
      %add3A_100 = arith.constant 3 : i32
      %add3A_101 = arith.addi %scan3A_97, %add3A_100 : i32
      %lt3A = arith.constant 125 : i32
      %lt3A_102 = arith.cmpi slt, %add3A_101, %lt3A : i32
      %convert_element_type3A_103 = arith.extui %lt3A_102 : i1 to i32
      %cond3A_104 = arith.constant 0 : i32
      %cond3A_105 = arith.cmpi ne, %convert_element_type3A_103, %cond3A_104 : i32
      scf.if %cond3A_105 {
        %add3A_133 = arith.constant 3 : i32
        %add3A_134 = arith.addi %scan3A_97, %add3A_133 : i32
        %rem3A_135 = arith.constant 6 : i32
        %rem3A_136 = arith.remsi %add3A_134, %rem3A_135 : i32
        %dma_start3A_137 = arith.constant 0 : i32
        %dma_start3A_138 = arith.constant 0 : i32
        %dma_start3A_139 = tpu.memref_slice %arg9[%rem3A_136, %dma_start3A_137, %dma_start3A_138] : memref<6x80x64xf32, #tpu.memory_space<vmem>> -> memref<1x80x64xf32, #tpu.memory_space<vmem>>
        %dma_start3A_140 = tpu.memref_squeeze %dma_start3A_139 : memref<1x80x64xf32, #tpu.memory_space<vmem>> -> memref<80x64xf32, #tpu.memory_space<vmem>>
        %dma_start3A_141 = arith.constant 0 : i32
        %dma_start3A_142 = tpu.memref_slice %arg7[%add3A_134, %dma_start3A_141] : memref<125x80xi32, #tpu.memory_space<vmem>> -> memref<1x80xi32, #tpu.memory_space<vmem>>
        %dma_start3A_143 = tpu.memref_squeeze %dma_start3A_142 : memref<1x80xi32, #tpu.memory_space<vmem>> -> memref<80xi32, #tpu.memory_space<vmem>>
        %dma_start3A_144 = arith.constant 0 : i32
        %dma_start3A_145 = arith.constant 0 : i32
        %dma_start3A_146 = tpu.memref_slice %arg2[%dma_start3A_144, %dma_start3A_145] : memref<10000x64xf32, #tpu.memory_space<hbm>> -> memref<10000x64xf32, #tpu.memory_space<hbm>>
        %dma_start3A_147 = tpu.memref_slice %arg11[%rem3A_136] : memref<6x!tpu.dma_semaphore, #tpu.memory_space<semaphore_mem>> -> memref<1x!tpu.dma_semaphore, #tpu.memory_space<semaphore_mem>>
        %dma_start3A_148 = tpu.memref_squeeze %dma_start3A_147 : memref<1x!tpu.dma_semaphore, #tpu.memory_space<semaphore_mem>> -> memref<!tpu.dma_semaphore, #tpu.memory_space<semaphore_mem>>
        tpu.enqueue_indirect_dma source(%dma_start3A_146 : memref<10000x64xf32, #tpu.memory_space<hbm>>) target(%dma_start3A_140 : memref<80x64xf32, #tpu.memory_space<vmem>>) offsets(%dma_start3A_143 : memref<80xi32, #tpu.memory_space<vmem>>) semaphore(%dma_start3A_148 : memref<!tpu.dma_semaphore, #tpu.memory_space<semaphore_mem>>)
      } else {
      }
      %rem3A = arith.constant 6 : i32
      %rem3A_106 = arith.remsi %scan3A_97, %rem3A : i32
      %dma_wait3A_107 = arith.constant 0 : i32
      %dma_wait3A_108 = arith.constant 0 : i32
      %dma_wait3A_109 = tpu.memref_slice %arg9[%rem3A_106, %dma_wait3A_107, %dma_wait3A_108] : memref<6x80x64xf32, #tpu.memory_space<vmem>> -> memref<1x80x64xf32, #tpu.memory_space<vmem>>
      %dma_wait3A_110 = tpu.memref_squeeze %dma_wait3A_109 : memref<1x80x64xf32, #tpu.memory_space<vmem>> -> memref<80x64xf32, #tpu.memory_space<vmem>>
      %dma_wait3A_111 = arith.constant 0 : i32
      %dma_wait3A_112 = tpu.memref_slice %arg7[%scan3A_97, %dma_wait3A_111] : memref<125x80xi32, #tpu.memory_space<vmem>> -> memref<1x80xi32, #tpu.memory_space<vmem>>
      %dma_wait3A_113 = tpu.memref_squeeze %dma_wait3A_112 : memref<1x80xi32, #tpu.memory_space<vmem>> -> memref<80xi32, #tpu.memory_space<vmem>>
      %dma_wait3A_114 = arith.constant 0 : i32
      %dma_wait3A_115 = arith.constant 0 : i32
      %dma_wait3A_116 = tpu.memref_slice %arg2[%dma_wait3A_114, %dma_wait3A_115] : memref<10000x64xf32, #tpu.memory_space<hbm>> -> memref<10000x64xf32, #tpu.memory_space<hbm>>
      %dma_wait3A_117 = tpu.memref_slice %arg11[%rem3A_106] : memref<6x!tpu.dma_semaphore, #tpu.memory_space<semaphore_mem>> -> memref<1x!tpu.dma_semaphore, #tpu.memory_space<semaphore_mem>>
      %dma_wait3A_118 = tpu.memref_squeeze %dma_wait3A_117 : memref<1x!tpu.dma_semaphore, #tpu.memory_space<semaphore_mem>> -> memref<!tpu.dma_semaphore, #tpu.memory_space<semaphore_mem>>
      tpu.wait_indirect_dma semaphore(%dma_wait3A_118 : memref<!tpu.dma_semaphore, #tpu.memory_space<semaphore_mem>>) src(%dma_wait3A_116 : memref<10000x64xf32, #tpu.memory_space<hbm>>) dst(%dma_wait3A_110 : memref<80x64xf32, #tpu.memory_space<vmem>>)
      %rem3A_119 = arith.constant 6 : i32
      %rem3A_120 = arith.remsi %scan3A_97, %rem3A_119 : i32
      %dma_start3A_121 = arith.constant 0 : i32
      %dma_start3A_122 = arith.constant 0 : i32
      %dma_start3A_123 = tpu.memref_slice %arg9[%rem3A_120, %dma_start3A_121, %dma_start3A_122] : memref<6x80x64xf32, #tpu.memory_space<vmem>> -> memref<1x80x64xf32, #tpu.memory_space<vmem>>
      %dma_start3A_124 = tpu.memref_squeeze %dma_start3A_123 : memref<1x80x64xf32, #tpu.memory_space<vmem>> -> memref<80x64xf32, #tpu.memory_space<vmem>>
      %dma_start3A_125 = arith.constant 0 : i32
      %dma_start3A_126 = tpu.memref_slice %arg8[%scan3A_97, %dma_start3A_125] : memref<125x80xi32, #tpu.memory_space<vmem>> -> memref<1x80xi32, #tpu.memory_space<vmem>>
      %dma_start3A_127 = tpu.memref_squeeze %dma_start3A_126 : memref<1x80xi32, #tpu.memory_space<vmem>> -> memref<80xi32, #tpu.memory_space<vmem>>
      %dma_start3A_128 = arith.constant 0 : i32
      %dma_start3A_129 = arith.constant 0 : i32
      %dma_start3A_130 = tpu.memref_slice %arg10[%dma_start3A_128, %dma_start3A_129] : memref<10240x64xf32, #tpu.memory_space<vmem_shared>> -> memref<10240x64xf32, #tpu.memory_space<vmem_shared>>
      %dma_start3A_131 = tpu.memref_slice %arg12[%rem3A_120] : memref<6x!tpu.dma_semaphore, #tpu.memory_space<semaphore_mem>> -> memref<1x!tpu.dma_semaphore, #tpu.memory_space<semaphore_mem>>
      %dma_start3A_132 = tpu.memref_squeeze %dma_start3A_131 : memref<1x!tpu.dma_semaphore, #tpu.memory_space<semaphore_mem>> -> memref<!tpu.dma_semaphore, #tpu.memory_space<semaphore_mem>>
      tpu.enqueue_indirect_dma source(%dma_start3A_124 : memref<80x64xf32, #tpu.memory_space<vmem>>) target(%dma_start3A_130 : memref<10240x64xf32, #tpu.memory_space<vmem_shared>>) offsets(%dma_start3A_127 : memref<80xi32, #tpu.memory_space<vmem>>) semaphore(%dma_start3A_132 : memref<!tpu.dma_semaphore, #tpu.memory_space<semaphore_mem>>) {add = true}
    }
    %scan3A_51 = arith.constant 125 : i32
    %dma_wait3A = arith.constant 2 : i32
    %dma_wait3A_52 = arith.constant 122 : i32
    %dma_wait3A_53 = arith.constant 2 : i32
    %dma_wait3A_54 = arith.constant 0 : i32
    %dma_wait3A_55 = arith.constant 0 : i32
    %dma_wait3A_56 = tpu.memref_slice %arg9[%dma_wait3A, %dma_wait3A_54, %dma_wait3A_55] : memref<6x80x64xf32, #tpu.memory_space<vmem>> -> memref<1x80x64xf32, #tpu.memory_space<vmem>>
    %dma_wait3A_57 = tpu.memref_squeeze %dma_wait3A_56 : memref<1x80x64xf32, #tpu.memory_space<vmem>> -> memref<80x64xf32, #tpu.memory_space<vmem>>
    %dma_wait3A_58 = arith.constant 0 : i32
    %dma_wait3A_59 = tpu.memref_slice %arg8[%dma_wait3A_52, %dma_wait3A_58] : memref<125x80xi32, #tpu.memory_space<vmem>> -> memref<1x80xi32, #tpu.memory_space<vmem>>
    %dma_wait3A_60 = tpu.memref_squeeze %dma_wait3A_59 : memref<1x80xi32, #tpu.memory_space<vmem>> -> memref<80xi32, #tpu.memory_space<vmem>>
    %dma_wait3A_61 = arith.constant 0 : i32
    %dma_wait3A_62 = arith.constant 0 : i32
    %dma_wait3A_63 = tpu.memref_slice %arg10[%dma_wait3A_61, %dma_wait3A_62] : memref<10240x64xf32, #tpu.memory_space<vmem_shared>> -> memref<10240x64xf32, #tpu.memory_space<vmem_shared>>
    %dma_wait3A_64 = tpu.memref_slice %arg12[%dma_wait3A_53] : memref<6x!tpu.dma_semaphore, #tpu.memory_space<semaphore_mem>> -> memref<1x!tpu.dma_semaphore, #tpu.memory_space<semaphore_mem>>
    %dma_wait3A_65 = tpu.memref_squeeze %dma_wait3A_64 : memref<1x!tpu.dma_semaphore, #tpu.memory_space<semaphore_mem>> -> memref<!tpu.dma_semaphore, #tpu.memory_space<semaphore_mem>>
    tpu.wait_indirect_dma semaphore(%dma_wait3A_65 : memref<!tpu.dma_semaphore, #tpu.memory_space<semaphore_mem>>) src(%dma_wait3A_57 : memref<80x64xf32, #tpu.memory_space<vmem>>) dst(%dma_wait3A_63 : memref<10240x64xf32, #tpu.memory_space<vmem_shared>>)
    %dma_wait3A_66 = arith.constant 3 : i32
    %dma_wait3A_67 = arith.constant 123 : i32
    %dma_wait3A_68 = arith.constant 3 : i32
    %dma_wait3A_69 = arith.constant 0 : i32
    %dma_wait3A_70 = arith.constant 0 : i32
    %dma_wait3A_71 = tpu.memref_slice %arg9[%dma_wait3A_66, %dma_wait3A_69, %dma_wait3A_70] : memref<6x80x64xf32, #tpu.memory_space<vmem>> -> memref<1x80x64xf32, #tpu.memory_space<vmem>>
    %dma_wait3A_72 = tpu.memref_squeeze %dma_wait3A_71 : memref<1x80x64xf32, #tpu.memory_space<vmem>> -> memref<80x64xf32, #tpu.memory_space<vmem>>
    %dma_wait3A_73 = arith.constant 0 : i32
    %dma_wait3A_74 = tpu.memref_slice %arg8[%dma_wait3A_67, %dma_wait3A_73] : memref<125x80xi32, #tpu.memory_space<vmem>> -> memref<1x80xi32, #tpu.memory_space<vmem>>
    %dma_wait3A_75 = tpu.memref_squeeze %dma_wait3A_74 : memref<1x80xi32, #tpu.memory_space<vmem>> -> memref<80xi32, #tpu.memory_space<vmem>>
    %dma_wait3A_76 = arith.constant 0 : i32
    %dma_wait3A_77 = arith.constant 0 : i32
    %dma_wait3A_78 = tpu.memref_slice %arg10[%dma_wait3A_76, %dma_wait3A_77] : memref<10240x64xf32, #tpu.memory_space<vmem_shared>> -> memref<10240x64xf32, #tpu.memory_space<vmem_shared>>
    %dma_wait3A_79 = tpu.memref_slice %arg12[%dma_wait3A_68] : memref<6x!tpu.dma_semaphore, #tpu.memory_space<semaphore_mem>> -> memref<1x!tpu.dma_semaphore, #tpu.memory_space<semaphore_mem>>
    %dma_wait3A_80 = tpu.memref_squeeze %dma_wait3A_79 : memref<1x!tpu.dma_semaphore, #tpu.memory_space<semaphore_mem>> -> memref<!tpu.dma_semaphore, #tpu.memory_space<semaphore_mem>>
    tpu.wait_indirect_dma semaphore(%dma_wait3A_80 : memref<!tpu.dma_semaphore, #tpu.memory_space<semaphore_mem>>) src(%dma_wait3A_72 : memref<80x64xf32, #tpu.memory_space<vmem>>) dst(%dma_wait3A_78 : memref<10240x64xf32, #tpu.memory_space<vmem_shared>>)
    %dma_wait3A_81 = arith.constant 4 : i32
    %dma_wait3A_82 = arith.constant 124 : i32
    %dma_wait3A_83 = arith.constant 4 : i32
    %dma_wait3A_84 = arith.constant 0 : i32
    %dma_wait3A_85 = arith.constant 0 : i32
    %dma_wait3A_86 = tpu.memref_slice %arg9[%dma_wait3A_81, %dma_wait3A_84, %dma_wait3A_85] : memref<6x80x64xf32, #tpu.memory_space<vmem>> -> memref<1x80x64xf32, #tpu.memory_space<vmem>>
    %dma_wait3A_87 = tpu.memref_squeeze %dma_wait3A_86 : memref<1x80x64xf32, #tpu.memory_space<vmem>> -> memref<80x64xf32, #tpu.memory_space<vmem>>
    %dma_wait3A_88 = arith.constant 0 : i32
    %dma_wait3A_89 = tpu.memref_slice %arg8[%dma_wait3A_82, %dma_wait3A_88] : memref<125x80xi32, #tpu.memory_space<vmem>> -> memref<1x80xi32, #tpu.memory_space<vmem>>
    %dma_wait3A_90 = tpu.memref_squeeze %dma_wait3A_89 : memref<1x80xi32, #tpu.memory_space<vmem>> -> memref<80xi32, #tpu.memory_space<vmem>>
    %dma_wait3A_91 = arith.constant 0 : i32
    %dma_wait3A_92 = arith.constant 0 : i32
    %dma_wait3A_93 = tpu.memref_slice %arg10[%dma_wait3A_91, %dma_wait3A_92] : memref<10240x64xf32, #tpu.memory_space<vmem_shared>> -> memref<10240x64xf32, #tpu.memory_space<vmem_shared>>
    %dma_wait3A_94 = tpu.memref_slice %arg12[%dma_wait3A_83] : memref<6x!tpu.dma_semaphore, #tpu.memory_space<semaphore_mem>> -> memref<1x!tpu.dma_semaphore, #tpu.memory_space<semaphore_mem>>
    %dma_wait3A_95 = tpu.memref_squeeze %dma_wait3A_94 : memref<1x!tpu.dma_semaphore, #tpu.memory_space<semaphore_mem>> -> memref<!tpu.dma_semaphore, #tpu.memory_space<semaphore_mem>>
    tpu.wait_indirect_dma semaphore(%dma_wait3A_95 : memref<!tpu.dma_semaphore, #tpu.memory_space<semaphore_mem>>) src(%dma_wait3A_87 : memref<80x64xf32, #tpu.memory_space<vmem>>) dst(%dma_wait3A_93 : memref<10240x64xf32, #tpu.memory_space<vmem_shared>>)
    %barrier3A_96 = arith.constant 0 : index
    tpu.barrier barrier_id(%barrier3A_96)
    "tpu.region"() ({
      %run_scoped3A = tpu.sem_alloc : memref<!tpu.dma_semaphore, #tpu.memory_space<semaphore_mem>>
      %dma_start3A_97 = arith.constant 0 : i32
      %dma_start3A_98 = tpu.memref_slice %arg6[%arg0, %mul3A_2, %dma_start3A_97] : memref<2x10240x64xf32, #tpu.memory_space<hbm>> -> memref<1x640x64xf32, #tpu.memory_space<hbm>>
      %dma_start3A_99 = tpu.memref_squeeze %dma_start3A_98 : memref<1x640x64xf32, #tpu.memory_space<hbm>> -> memref<640x64xf32, #tpu.memory_space<hbm>>
      %dma_start3A_100 = arith.constant 0 : i32
      %dma_start3A_101 = tpu.memref_slice %arg10[%mul3A_2, %dma_start3A_100] : memref<10240x64xf32, #tpu.memory_space<vmem_shared>> -> memref<640x64xf32, #tpu.memory_space<vmem_shared>>
      tpu.enqueue_dma source(%dma_start3A_101 : memref<640x64xf32, #tpu.memory_space<vmem_shared>>) target(%dma_start3A_99 : memref<640x64xf32, #tpu.memory_space<hbm>>) target_semaphore(%run_scoped3A : memref<!tpu.dma_semaphore, #tpu.memory_space<semaphore_mem>>)
      %dma_wait3A_102 = arith.constant 0 : i32
      %dma_wait3A_103 = tpu.memref_slice %arg6[%arg0, %mul3A_2, %dma_wait3A_102] : memref<2x10240x64xf32, #tpu.memory_space<hbm>> -> memref<1x640x64xf32, #tpu.memory_space<hbm>>
      %dma_wait3A_104 = tpu.memref_squeeze %dma_wait3A_103 : memref<1x640x64xf32, #tpu.memory_space<hbm>> -> memref<640x64xf32, #tpu.memory_space<hbm>>
      %dma_wait3A_105 = arith.constant 0 : i32
      %dma_wait3A_106 = tpu.memref_slice %arg10[%mul3A_2, %dma_wait3A_105] : memref<10240x64xf32, #tpu.memory_space<vmem_shared>> -> memref<640x64xf32, #tpu.memory_space<vmem_shared>>
      tpu.wait_dma2 semaphore(%run_scoped3A : memref<!tpu.dma_semaphore, #tpu.memory_space<semaphore_mem>>) src(%dma_wait3A_106 : memref<640x64xf32, #tpu.memory_space<vmem_shared>>) dst(%dma_wait3A_104 : memref<640x64xf32, #tpu.memory_space<hbm>>)
      tpu.yield
    }) : () -> ()
    return
  }
}

#map = affine_map<(d0, d1) -> (0, 0)>
#map1 = affine_map<(d0, d1) -> (0, 0, 0)>
module attributes {stable_mosaic.version = 14 : i64} {
  func.func @body(%arg0: i32, %arg1: i32, %arg2: memref<10000x64xf32, #tpu.memory_space<hbm>>, %arg3: memref<32x125x80xi32, #tpu.memory_space<hbm>>, %arg4: memref<32x125x80xi32, #tpu.memory_space<hbm>>, %arg5: memref<10240x64xf32, #tpu.memory_space<hbm>>, %arg6: memref<625x16xf32, #tpu.memory_space<hbm>>, %arg7: memref<2x10240x64xf32, #tpu.memory_space<hbm>>, %arg8: memref<32x625x16xf32, #tpu.memory_space<hbm>>, %arg9: memref<125x80xi32, #tpu.memory_space<vmem>>, %arg10: memref<125x80xi32, #tpu.memory_space<vmem>>, %arg11: memref<6x80x64xf32, #tpu.memory_space<vmem>>, %arg12: memref<10240x64xf32, #tpu.memory_space<vmem_shared>>, %arg13: memref<6x!tpu.dma_semaphore, #tpu.memory_space<semaphore_mem>>, %arg14: memref<6x!tpu.dma_semaphore, #tpu.memory_space<semaphore_mem>>, %arg15: memref<625x16xf32, #tpu.memory_space<vmem>>) attributes {dimension_semantics = [#tpu.dimension_semantics<core_parallel>, #tpu.dimension_semantics<subcore_parallel>], iteration_bounds = array<i64: 2, 16>, scalar_prefetch = 0 : i64, scratch_operands = 7 : i64, tpu.core_type = #tpu.core_type<sc_vector_subcore>, window_params = [{transform_indices = #map}, {transform_indices = #map1}, {transform_indices = #map1}, {transform_indices = #map}, {transform_indices = #map}, {transform_indices = #map1}, {transform_indices = #map1}]} {
    %mul3A = arith.constant 16 : i32
    %mul3A_0 = arith.muli %arg0, %mul3A : i32
    %add3A = arith.addi %mul3A_0, %arg1 : i32
    %mul3A_1 = arith.constant 640 : i32
    %mul3A_2 = arith.muli %arg1, %mul3A_1 : i32
    "tpu.region"() ({
      %run_scoped3A = tpu.sem_alloc : memref<!tpu.dma_semaphore, #tpu.memory_space<semaphore_mem>>
      %dma_start3A_98 = arith.constant 0 : i32
      %dma_start3A_99 = arith.constant 0 : i32
      %dma_start3A_100 = tpu.memref_slice %arg3[%add3A, %dma_start3A_98, %dma_start3A_99] : memref<32x125x80xi32, #tpu.memory_space<hbm>> -> memref<1x125x80xi32, #tpu.memory_space<hbm>>
      %dma_start3A_101 = tpu.memref_squeeze %dma_start3A_100 : memref<1x125x80xi32, #tpu.memory_space<hbm>> -> memref<125x80xi32, #tpu.memory_space<hbm>>
      %dma_start3A_102 = arith.constant 0 : i32
      %dma_start3A_103 = arith.constant 0 : i32
      %dma_start3A_104 = tpu.memref_slice %arg3[%add3A, %dma_start3A_102, %dma_start3A_103] : memref<32x125x80xi32, #tpu.memory_space<hbm>> -> memref<1x125x80xi32, #tpu.memory_space<hbm>>
      %dma_start3A_105 = tpu.memref_squeeze %dma_start3A_104 : memref<1x125x80xi32, #tpu.memory_space<hbm>> -> memref<125x80xi32, #tpu.memory_space<hbm>>
      tpu.enqueue_dma source(%dma_start3A_105 : memref<125x80xi32, #tpu.memory_space<hbm>>) target(%arg9 : memref<125x80xi32, #tpu.memory_space<vmem>>) target_semaphore(%run_scoped3A : memref<!tpu.dma_semaphore, #tpu.memory_space<semaphore_mem>>)
      %dma_wait3A_106 = arith.constant 0 : i32
      %dma_wait3A_107 = arith.constant 0 : i32
      %dma_wait3A_108 = tpu.memref_slice %arg3[%add3A, %dma_wait3A_106, %dma_wait3A_107] : memref<32x125x80xi32, #tpu.memory_space<hbm>> -> memref<1x125x80xi32, #tpu.memory_space<hbm>>
      %dma_wait3A_109 = tpu.memref_squeeze %dma_wait3A_108 : memref<1x125x80xi32, #tpu.memory_space<hbm>> -> memref<125x80xi32, #tpu.memory_space<hbm>>
      %dma_wait3A_110 = arith.constant 0 : i32
      %dma_wait3A_111 = arith.constant 0 : i32
      %dma_wait3A_112 = tpu.memref_slice %arg3[%add3A, %dma_wait3A_110, %dma_wait3A_111] : memref<32x125x80xi32, #tpu.memory_space<hbm>> -> memref<1x125x80xi32, #tpu.memory_space<hbm>>
      %dma_wait3A_113 = tpu.memref_squeeze %dma_wait3A_112 : memref<1x125x80xi32, #tpu.memory_space<hbm>> -> memref<125x80xi32, #tpu.memory_space<hbm>>
      tpu.wait_dma2 semaphore(%run_scoped3A : memref<!tpu.dma_semaphore, #tpu.memory_space<semaphore_mem>>) src(%dma_wait3A_113 : memref<125x80xi32, #tpu.memory_space<hbm>>) dst(%arg9 : memref<125x80xi32, #tpu.memory_space<vmem>>)
      tpu.yield
    }) : () -> ()
    "tpu.region"() ({
      %run_scoped3A = tpu.sem_alloc : memref<!tpu.dma_semaphore, #tpu.memory_space<semaphore_mem>>
      %dma_start3A_98 = arith.constant 0 : i32
      %dma_start3A_99 = arith.constant 0 : i32
      %dma_start3A_100 = tpu.memref_slice %arg4[%add3A, %dma_start3A_98, %dma_start3A_99] : memref<32x125x80xi32, #tpu.memory_space<hbm>> -> memref<1x125x80xi32, #tpu.memory_space<hbm>>
      %dma_start3A_101 = tpu.memref_squeeze %dma_start3A_100 : memref<1x125x80xi32, #tpu.memory_space<hbm>> -> memref<125x80xi32, #tpu.memory_space<hbm>>
      %dma_start3A_102 = arith.constant 0 : i32
      %dma_start3A_103 = arith.constant 0 : i32
      %dma_start3A_104 = tpu.memref_slice %arg4[%add3A, %dma_start3A_102, %dma_start3A_103] : memref<32x125x80xi32, #tpu.memory_space<hbm>> -> memref<1x125x80xi32, #tpu.memory_space<hbm>>
      %dma_start3A_105 = tpu.memref_squeeze %dma_start3A_104 : memref<1x125x80xi32, #tpu.memory_space<hbm>> -> memref<125x80xi32, #tpu.memory_space<hbm>>
      tpu.enqueue_dma source(%dma_start3A_105 : memref<125x80xi32, #tpu.memory_space<hbm>>) target(%arg10 : memref<125x80xi32, #tpu.memory_space<vmem>>) target_semaphore(%run_scoped3A : memref<!tpu.dma_semaphore, #tpu.memory_space<semaphore_mem>>)
      %dma_wait3A_106 = arith.constant 0 : i32
      %dma_wait3A_107 = arith.constant 0 : i32
      %dma_wait3A_108 = tpu.memref_slice %arg4[%add3A, %dma_wait3A_106, %dma_wait3A_107] : memref<32x125x80xi32, #tpu.memory_space<hbm>> -> memref<1x125x80xi32, #tpu.memory_space<hbm>>
      %dma_wait3A_109 = tpu.memref_squeeze %dma_wait3A_108 : memref<1x125x80xi32, #tpu.memory_space<hbm>> -> memref<125x80xi32, #tpu.memory_space<hbm>>
      %dma_wait3A_110 = arith.constant 0 : i32
      %dma_wait3A_111 = arith.constant 0 : i32
      %dma_wait3A_112 = tpu.memref_slice %arg4[%add3A, %dma_wait3A_110, %dma_wait3A_111] : memref<32x125x80xi32, #tpu.memory_space<hbm>> -> memref<1x125x80xi32, #tpu.memory_space<hbm>>
      %dma_wait3A_113 = tpu.memref_squeeze %dma_wait3A_112 : memref<1x125x80xi32, #tpu.memory_space<hbm>> -> memref<125x80xi32, #tpu.memory_space<hbm>>
      tpu.wait_dma2 semaphore(%run_scoped3A : memref<!tpu.dma_semaphore, #tpu.memory_space<semaphore_mem>>) src(%dma_wait3A_113 : memref<125x80xi32, #tpu.memory_space<hbm>>) dst(%arg10 : memref<125x80xi32, #tpu.memory_space<vmem>>)
      tpu.yield
    }) : () -> ()
    "tpu.region"() ({
      %run_scoped3A = tpu.sem_alloc : memref<!tpu.dma_semaphore, #tpu.memory_space<semaphore_mem>>
      %dma_start3A_98 = arith.constant 0 : i32
      %dma_start3A_99 = tpu.memref_slice %arg12[%mul3A_2, %dma_start3A_98] : memref<10240x64xf32, #tpu.memory_space<vmem_shared>> -> memref<640x64xf32, #tpu.memory_space<vmem_shared>>
      %dma_start3A_100 = arith.constant 0 : i32
      %dma_start3A_101 = tpu.memref_slice %arg5[%mul3A_2, %dma_start3A_100] : memref<10240x64xf32, #tpu.memory_space<hbm>> -> memref<640x64xf32, #tpu.memory_space<hbm>>
      tpu.enqueue_dma source(%dma_start3A_101 : memref<640x64xf32, #tpu.memory_space<hbm>>) target(%dma_start3A_99 : memref<640x64xf32, #tpu.memory_space<vmem_shared>>) target_semaphore(%run_scoped3A : memref<!tpu.dma_semaphore, #tpu.memory_space<semaphore_mem>>)
      %dma_wait3A_102 = arith.constant 0 : i32
      %dma_wait3A_103 = tpu.memref_slice %arg12[%mul3A_2, %dma_wait3A_102] : memref<10240x64xf32, #tpu.memory_space<vmem_shared>> -> memref<640x64xf32, #tpu.memory_space<vmem_shared>>
      %dma_wait3A_104 = arith.constant 0 : i32
      %dma_wait3A_105 = tpu.memref_slice %arg5[%mul3A_2, %dma_wait3A_104] : memref<10240x64xf32, #tpu.memory_space<hbm>> -> memref<640x64xf32, #tpu.memory_space<hbm>>
      tpu.wait_dma2 semaphore(%run_scoped3A : memref<!tpu.dma_semaphore, #tpu.memory_space<semaphore_mem>>) src(%dma_wait3A_105 : memref<640x64xf32, #tpu.memory_space<hbm>>) dst(%dma_wait3A_103 : memref<640x64xf32, #tpu.memory_space<vmem_shared>>)
      tpu.yield
    }) : () -> ()
    "tpu.region"() ({
      %run_scoped3A = tpu.sem_alloc : memref<!tpu.dma_semaphore, #tpu.memory_space<semaphore_mem>>
      tpu.enqueue_dma source(%arg6 : memref<625x16xf32, #tpu.memory_space<hbm>>) target(%arg15 : memref<625x16xf32, #tpu.memory_space<vmem>>) target_semaphore(%run_scoped3A : memref<!tpu.dma_semaphore, #tpu.memory_space<semaphore_mem>>)
      tpu.wait_dma2 semaphore(%run_scoped3A : memref<!tpu.dma_semaphore, #tpu.memory_space<semaphore_mem>>) src(%arg6 : memref<625x16xf32, #tpu.memory_space<hbm>>) dst(%arg15 : memref<625x16xf32, #tpu.memory_space<vmem>>)
      tpu.yield
    }) : () -> ()
    %broadcast_in_dim3A = arith.constant 1.000000e+00 : f32
    %broadcast_in_dim3A_3 = vector.broadcast %broadcast_in_dim3A : f32 to vector<16xf32>
    %barrier3A = arith.constant 0 : index
    tpu.barrier barrier_id(%barrier3A)
    %dma_start3A = arith.constant 0 : i32
    %dma_start3A_4 = arith.constant 0 : i32
    %dma_start3A_5 = arith.constant 0 : i32
    %dma_start3A_6 = arith.constant 0 : i32
    %dma_start3A_7 = arith.constant 0 : i32
    %dma_start3A_8 = tpu.memref_slice %arg11[%dma_start3A_4, %dma_start3A_6, %dma_start3A_7] : memref<6x80x64xf32, #tpu.memory_space<vmem>> -> memref<1x80x64xf32, #tpu.memory_space<vmem>>
    %dma_start3A_9 = tpu.memref_squeeze %dma_start3A_8 : memref<1x80x64xf32, #tpu.memory_space<vmem>> -> memref<80x64xf32, #tpu.memory_space<vmem>>
    %dma_start3A_10 = arith.constant 0 : i32
    %dma_start3A_11 = tpu.memref_slice %arg9[%dma_start3A, %dma_start3A_10] : memref<125x80xi32, #tpu.memory_space<vmem>> -> memref<1x80xi32, #tpu.memory_space<vmem>>
    %dma_start3A_12 = tpu.memref_squeeze %dma_start3A_11 : memref<1x80xi32, #tpu.memory_space<vmem>> -> memref<80xi32, #tpu.memory_space<vmem>>
    %dma_start3A_13 = arith.constant 0 : i32
    %dma_start3A_14 = arith.constant 0 : i32
    %dma_start3A_15 = tpu.memref_slice %arg2[%dma_start3A_13, %dma_start3A_14] : memref<10000x64xf32, #tpu.memory_space<hbm>> -> memref<10000x64xf32, #tpu.memory_space<hbm>>
    %dma_start3A_16 = tpu.memref_slice %arg13[%dma_start3A_5] : memref<6x!tpu.dma_semaphore, #tpu.memory_space<semaphore_mem>> -> memref<1x!tpu.dma_semaphore, #tpu.memory_space<semaphore_mem>>
    %dma_start3A_17 = tpu.memref_squeeze %dma_start3A_16 : memref<1x!tpu.dma_semaphore, #tpu.memory_space<semaphore_mem>> -> memref<!tpu.dma_semaphore, #tpu.memory_space<semaphore_mem>>
    tpu.enqueue_indirect_dma source(%dma_start3A_15 : memref<10000x64xf32, #tpu.memory_space<hbm>>) target(%dma_start3A_9 : memref<80x64xf32, #tpu.memory_space<vmem>>) offsets(%dma_start3A_12 : memref<80xi32, #tpu.memory_space<vmem>>) semaphore(%dma_start3A_17 : memref<!tpu.dma_semaphore, #tpu.memory_space<semaphore_mem>>)
    %dma_start3A_18 = arith.constant 1 : i32
    %dma_start3A_19 = arith.constant 1 : i32
    %dma_start3A_20 = arith.constant 1 : i32
    %dma_start3A_21 = arith.constant 0 : i32
    %dma_start3A_22 = arith.constant 0 : i32
    %dma_start3A_23 = tpu.memref_slice %arg11[%dma_start3A_19, %dma_start3A_21, %dma_start3A_22] : memref<6x80x64xf32, #tpu.memory_space<vmem>> -> memref<1x80x64xf32, #tpu.memory_space<vmem>>
    %dma_start3A_24 = tpu.memref_squeeze %dma_start3A_23 : memref<1x80x64xf32, #tpu.memory_space<vmem>> -> memref<80x64xf32, #tpu.memory_space<vmem>>
    %dma_start3A_25 = arith.constant 0 : i32
    %dma_start3A_26 = tpu.memref_slice %arg9[%dma_start3A_18, %dma_start3A_25] : memref<125x80xi32, #tpu.memory_space<vmem>> -> memref<1x80xi32, #tpu.memory_space<vmem>>
    %dma_start3A_27 = tpu.memref_squeeze %dma_start3A_26 : memref<1x80xi32, #tpu.memory_space<vmem>> -> memref<80xi32, #tpu.memory_space<vmem>>
    %dma_start3A_28 = arith.constant 0 : i32
    %dma_start3A_29 = arith.constant 0 : i32
    %dma_start3A_30 = tpu.memref_slice %arg2[%dma_start3A_28, %dma_start3A_29] : memref<10000x64xf32, #tpu.memory_space<hbm>> -> memref<10000x64xf32, #tpu.memory_space<hbm>>
    %dma_start3A_31 = tpu.memref_slice %arg13[%dma_start3A_20] : memref<6x!tpu.dma_semaphore, #tpu.memory_space<semaphore_mem>> -> memref<1x!tpu.dma_semaphore, #tpu.memory_space<semaphore_mem>>
    %dma_start3A_32 = tpu.memref_squeeze %dma_start3A_31 : memref<1x!tpu.dma_semaphore, #tpu.memory_space<semaphore_mem>> -> memref<!tpu.dma_semaphore, #tpu.memory_space<semaphore_mem>>
    tpu.enqueue_indirect_dma source(%dma_start3A_30 : memref<10000x64xf32, #tpu.memory_space<hbm>>) target(%dma_start3A_24 : memref<80x64xf32, #tpu.memory_space<vmem>>) offsets(%dma_start3A_27 : memref<80xi32, #tpu.memory_space<vmem>>) semaphore(%dma_start3A_32 : memref<!tpu.dma_semaphore, #tpu.memory_space<semaphore_mem>>)
    %dma_start3A_33 = arith.constant 2 : i32
    %dma_start3A_34 = arith.constant 2 : i32
    %dma_start3A_35 = arith.constant 2 : i32
    %dma_start3A_36 = arith.constant 0 : i32
    %dma_start3A_37 = arith.constant 0 : i32
    %dma_start3A_38 = tpu.memref_slice %arg11[%dma_start3A_34, %dma_start3A_36, %dma_start3A_37] : memref<6x80x64xf32, #tpu.memory_space<vmem>> -> memref<1x80x64xf32, #tpu.memory_space<vmem>>
    %dma_start3A_39 = tpu.memref_squeeze %dma_start3A_38 : memref<1x80x64xf32, #tpu.memory_space<vmem>> -> memref<80x64xf32, #tpu.memory_space<vmem>>
    %dma_start3A_40 = arith.constant 0 : i32
    %dma_start3A_41 = tpu.memref_slice %arg9[%dma_start3A_33, %dma_start3A_40] : memref<125x80xi32, #tpu.memory_space<vmem>> -> memref<1x80xi32, #tpu.memory_space<vmem>>
    %dma_start3A_42 = tpu.memref_squeeze %dma_start3A_41 : memref<1x80xi32, #tpu.memory_space<vmem>> -> memref<80xi32, #tpu.memory_space<vmem>>
    %dma_start3A_43 = arith.constant 0 : i32
    %dma_start3A_44 = arith.constant 0 : i32
    %dma_start3A_45 = tpu.memref_slice %arg2[%dma_start3A_43, %dma_start3A_44] : memref<10000x64xf32, #tpu.memory_space<hbm>> -> memref<10000x64xf32, #tpu.memory_space<hbm>>
    %dma_start3A_46 = tpu.memref_slice %arg13[%dma_start3A_35] : memref<6x!tpu.dma_semaphore, #tpu.memory_space<semaphore_mem>> -> memref<1x!tpu.dma_semaphore, #tpu.memory_space<semaphore_mem>>
    %dma_start3A_47 = tpu.memref_squeeze %dma_start3A_46 : memref<1x!tpu.dma_semaphore, #tpu.memory_space<semaphore_mem>> -> memref<!tpu.dma_semaphore, #tpu.memory_space<semaphore_mem>>
    tpu.enqueue_indirect_dma source(%dma_start3A_45 : memref<10000x64xf32, #tpu.memory_space<hbm>>) target(%dma_start3A_39 : memref<80x64xf32, #tpu.memory_space<vmem>>) offsets(%dma_start3A_42 : memref<80xi32, #tpu.memory_space<vmem>>) semaphore(%dma_start3A_47 : memref<!tpu.dma_semaphore, #tpu.memory_space<semaphore_mem>>)
    %scan3A = arith.constant 0 : i32
    %scan3A_48 = arith.constant 0 : i32
    %scan3A_49 = arith.constant 125 : i32
    %scan3A_50 = arith.addi %scan3A_48, %scan3A_49 : i32
    %scan3A_51 = arith.constant 1 : i32
    scf.for %scan3A_98 = %scan3A_48 to %scan3A_50 step %scan3A_51  : i32 {
      %ge3A = arith.constant 3 : i32
      %ge3A_99 = arith.cmpi sge, %scan3A_98, %ge3A : i32
      %convert_element_type3A = arith.extui %ge3A_99 : i1 to i32
      %cond3A = arith.constant 0 : i32
      %cond3A_100 = arith.cmpi ne, %convert_element_type3A, %cond3A : i32
      scf.if %cond3A_100 {
        %sub3A = arith.constant 3 : i32
        %sub3A_176 = arith.subi %scan3A_98, %sub3A : i32
        %rem3A_177 = arith.constant 6 : i32
        %rem3A_178 = arith.remsi %sub3A_176, %rem3A_177 : i32
        %dma_wait3A_179 = arith.constant 0 : i32
        %dma_wait3A_180 = arith.constant 0 : i32
        %dma_wait3A_181 = tpu.memref_slice %arg11[%rem3A_178, %dma_wait3A_179, %dma_wait3A_180] : memref<6x80x64xf32, #tpu.memory_space<vmem>> -> memref<1x80x64xf32, #tpu.memory_space<vmem>>
        %dma_wait3A_182 = tpu.memref_squeeze %dma_wait3A_181 : memref<1x80x64xf32, #tpu.memory_space<vmem>> -> memref<80x64xf32, #tpu.memory_space<vmem>>
        %dma_wait3A_183 = arith.constant 0 : i32
        %dma_wait3A_184 = tpu.memref_slice %arg10[%sub3A_176, %dma_wait3A_183] : memref<125x80xi32, #tpu.memory_space<vmem>> -> memref<1x80xi32, #tpu.memory_space<vmem>>
        %dma_wait3A_185 = tpu.memref_squeeze %dma_wait3A_184 : memref<1x80xi32, #tpu.memory_space<vmem>> -> memref<80xi32, #tpu.memory_space<vmem>>
        %dma_wait3A_186 = arith.constant 0 : i32
        %dma_wait3A_187 = arith.constant 0 : i32
        %dma_wait3A_188 = tpu.memref_slice %arg12[%dma_wait3A_186, %dma_wait3A_187] : memref<10240x64xf32, #tpu.memory_space<vmem_shared>> -> memref<10240x64xf32, #tpu.memory_space<vmem_shared>>
        %dma_wait3A_189 = tpu.memref_slice %arg14[%rem3A_178] : memref<6x!tpu.dma_semaphore, #tpu.memory_space<semaphore_mem>> -> memref<1x!tpu.dma_semaphore, #tpu.memory_space<semaphore_mem>>
        %dma_wait3A_190 = tpu.memref_squeeze %dma_wait3A_189 : memref<1x!tpu.dma_semaphore, #tpu.memory_space<semaphore_mem>> -> memref<!tpu.dma_semaphore, #tpu.memory_space<semaphore_mem>>
        tpu.wait_indirect_dma semaphore(%dma_wait3A_190 : memref<!tpu.dma_semaphore, #tpu.memory_space<semaphore_mem>>) src(%dma_wait3A_182 : memref<80x64xf32, #tpu.memory_space<vmem>>) dst(%dma_wait3A_188 : memref<10240x64xf32, #tpu.memory_space<vmem_shared>>)
      } else {
      }
      %add3A_101 = arith.constant 3 : i32
      %add3A_102 = arith.addi %scan3A_98, %add3A_101 : i32
      %lt3A = arith.constant 125 : i32
      %lt3A_103 = arith.cmpi slt, %add3A_102, %lt3A : i32
      %convert_element_type3A_104 = arith.extui %lt3A_103 : i1 to i32
      %cond3A_105 = arith.constant 0 : i32
      %cond3A_106 = arith.cmpi ne, %convert_element_type3A_104, %cond3A_105 : i32
      scf.if %cond3A_106 {
        %add3A_176 = arith.constant 3 : i32
        %add3A_177 = arith.addi %scan3A_98, %add3A_176 : i32
        %rem3A_178 = arith.constant 6 : i32
        %rem3A_179 = arith.remsi %add3A_177, %rem3A_178 : i32
        %dma_start3A_180 = arith.constant 0 : i32
        %dma_start3A_181 = arith.constant 0 : i32
        %dma_start3A_182 = tpu.memref_slice %arg11[%rem3A_179, %dma_start3A_180, %dma_start3A_181] : memref<6x80x64xf32, #tpu.memory_space<vmem>> -> memref<1x80x64xf32, #tpu.memory_space<vmem>>
        %dma_start3A_183 = tpu.memref_squeeze %dma_start3A_182 : memref<1x80x64xf32, #tpu.memory_space<vmem>> -> memref<80x64xf32, #tpu.memory_space<vmem>>
        %dma_start3A_184 = arith.constant 0 : i32
        %dma_start3A_185 = tpu.memref_slice %arg9[%add3A_177, %dma_start3A_184] : memref<125x80xi32, #tpu.memory_space<vmem>> -> memref<1x80xi32, #tpu.memory_space<vmem>>
        %dma_start3A_186 = tpu.memref_squeeze %dma_start3A_185 : memref<1x80xi32, #tpu.memory_space<vmem>> -> memref<80xi32, #tpu.memory_space<vmem>>
        %dma_start3A_187 = arith.constant 0 : i32
        %dma_start3A_188 = arith.constant 0 : i32
        %dma_start3A_189 = tpu.memref_slice %arg2[%dma_start3A_187, %dma_start3A_188] : memref<10000x64xf32, #tpu.memory_space<hbm>> -> memref<10000x64xf32, #tpu.memory_space<hbm>>
        %dma_start3A_190 = tpu.memref_slice %arg13[%rem3A_179] : memref<6x!tpu.dma_semaphore, #tpu.memory_space<semaphore_mem>> -> memref<1x!tpu.dma_semaphore, #tpu.memory_space<semaphore_mem>>
        %dma_start3A_191 = tpu.memref_squeeze %dma_start3A_190 : memref<1x!tpu.dma_semaphore, #tpu.memory_space<semaphore_mem>> -> memref<!tpu.dma_semaphore, #tpu.memory_space<semaphore_mem>>
        tpu.enqueue_indirect_dma source(%dma_start3A_189 : memref<10000x64xf32, #tpu.memory_space<hbm>>) target(%dma_start3A_183 : memref<80x64xf32, #tpu.memory_space<vmem>>) offsets(%dma_start3A_186 : memref<80xi32, #tpu.memory_space<vmem>>) semaphore(%dma_start3A_191 : memref<!tpu.dma_semaphore, #tpu.memory_space<semaphore_mem>>)
      } else {
      }
      %rem3A = arith.constant 6 : i32
      %rem3A_107 = arith.remsi %scan3A_98, %rem3A : i32
      %dma_wait3A_108 = arith.constant 0 : i32
      %dma_wait3A_109 = arith.constant 0 : i32
      %dma_wait3A_110 = tpu.memref_slice %arg11[%rem3A_107, %dma_wait3A_108, %dma_wait3A_109] : memref<6x80x64xf32, #tpu.memory_space<vmem>> -> memref<1x80x64xf32, #tpu.memory_space<vmem>>
      %dma_wait3A_111 = tpu.memref_squeeze %dma_wait3A_110 : memref<1x80x64xf32, #tpu.memory_space<vmem>> -> memref<80x64xf32, #tpu.memory_space<vmem>>
      %dma_wait3A_112 = arith.constant 0 : i32
      %dma_wait3A_113 = tpu.memref_slice %arg9[%scan3A_98, %dma_wait3A_112] : memref<125x80xi32, #tpu.memory_space<vmem>> -> memref<1x80xi32, #tpu.memory_space<vmem>>
      %dma_wait3A_114 = tpu.memref_squeeze %dma_wait3A_113 : memref<1x80xi32, #tpu.memory_space<vmem>> -> memref<80xi32, #tpu.memory_space<vmem>>
      %dma_wait3A_115 = arith.constant 0 : i32
      %dma_wait3A_116 = arith.constant 0 : i32
      %dma_wait3A_117 = tpu.memref_slice %arg2[%dma_wait3A_115, %dma_wait3A_116] : memref<10000x64xf32, #tpu.memory_space<hbm>> -> memref<10000x64xf32, #tpu.memory_space<hbm>>
      %dma_wait3A_118 = tpu.memref_slice %arg13[%rem3A_107] : memref<6x!tpu.dma_semaphore, #tpu.memory_space<semaphore_mem>> -> memref<1x!tpu.dma_semaphore, #tpu.memory_space<semaphore_mem>>
      %dma_wait3A_119 = tpu.memref_squeeze %dma_wait3A_118 : memref<1x!tpu.dma_semaphore, #tpu.memory_space<semaphore_mem>> -> memref<!tpu.dma_semaphore, #tpu.memory_space<semaphore_mem>>
      tpu.wait_indirect_dma semaphore(%dma_wait3A_119 : memref<!tpu.dma_semaphore, #tpu.memory_space<semaphore_mem>>) src(%dma_wait3A_117 : memref<10000x64xf32, #tpu.memory_space<hbm>>) dst(%dma_wait3A_111 : memref<80x64xf32, #tpu.memory_space<vmem>>)
      %rem3A_120 = arith.constant 6 : i32
      %rem3A_121 = arith.remsi %scan3A_98, %rem3A_120 : i32
      %dma_start3A_122 = arith.constant 0 : i32
      %dma_start3A_123 = arith.constant 0 : i32
      %dma_start3A_124 = tpu.memref_slice %arg11[%rem3A_121, %dma_start3A_122, %dma_start3A_123] : memref<6x80x64xf32, #tpu.memory_space<vmem>> -> memref<1x80x64xf32, #tpu.memory_space<vmem>>
      %dma_start3A_125 = tpu.memref_squeeze %dma_start3A_124 : memref<1x80x64xf32, #tpu.memory_space<vmem>> -> memref<80x64xf32, #tpu.memory_space<vmem>>
      %dma_start3A_126 = arith.constant 0 : i32
      %dma_start3A_127 = tpu.memref_slice %arg10[%scan3A_98, %dma_start3A_126] : memref<125x80xi32, #tpu.memory_space<vmem>> -> memref<1x80xi32, #tpu.memory_space<vmem>>
      %dma_start3A_128 = tpu.memref_squeeze %dma_start3A_127 : memref<1x80xi32, #tpu.memory_space<vmem>> -> memref<80xi32, #tpu.memory_space<vmem>>
      %dma_start3A_129 = arith.constant 0 : i32
      %dma_start3A_130 = arith.constant 0 : i32
      %dma_start3A_131 = tpu.memref_slice %arg12[%dma_start3A_129, %dma_start3A_130] : memref<10240x64xf32, #tpu.memory_space<vmem_shared>> -> memref<10240x64xf32, #tpu.memory_space<vmem_shared>>
      %dma_start3A_132 = tpu.memref_slice %arg14[%rem3A_121] : memref<6x!tpu.dma_semaphore, #tpu.memory_space<semaphore_mem>> -> memref<1x!tpu.dma_semaphore, #tpu.memory_space<semaphore_mem>>
      %dma_start3A_133 = tpu.memref_squeeze %dma_start3A_132 : memref<1x!tpu.dma_semaphore, #tpu.memory_space<semaphore_mem>> -> memref<!tpu.dma_semaphore, #tpu.memory_space<semaphore_mem>>
      tpu.enqueue_indirect_dma source(%dma_start3A_125 : memref<80x64xf32, #tpu.memory_space<vmem>>) target(%dma_start3A_131 : memref<10240x64xf32, #tpu.memory_space<vmem_shared>>) offsets(%dma_start3A_128 : memref<80xi32, #tpu.memory_space<vmem>>) semaphore(%dma_start3A_133 : memref<!tpu.dma_semaphore, #tpu.memory_space<semaphore_mem>>) {add = true}
      %get3A = arith.index_cast %scan3A_98 : i32 to index
      %get3A_134 = arith.constant 0 : index
      %get3A_135 = tpu.vector_load %arg10[%get3A, %get3A_134] {strides = array<i32>} : memref<125x80xi32, #tpu.memory_space<vmem>>, vector<16xi32>,
      %shift_right_logical3A = arith.constant 4 : i32
      %shift_right_logical3A_136 = vector.broadcast %shift_right_logical3A : i32 to vector<16xi32>
      %shift_right_logical3A_137 = arith.shrui %get3A_135, %shift_right_logical3A_136 : vector<16xi32>
      %and3A = arith.constant 15 : i32
      %and3A_138 = vector.broadcast %and3A : i32 to vector<16xi32>
      %and3A_139 = arith.andi %get3A_135, %and3A_138 : vector<16xi32>
      tpu.vector_store_idx %arg15[%shift_right_logical3A_137, %and3A_139], %broadcast_in_dim3A_3 {add = true} : memref<625x16xf32, #tpu.memory_space<vmem>>[vector<16xi32>, vector<16xi32>], vector<16xf32>,
      %get3A_140 = arith.index_cast %scan3A_98 : i32 to index
      %get3A_141 = arith.constant 16 : index
      %get3A_142 = tpu.vector_load %arg10[%get3A_140, %get3A_141] {strides = array<i32>} : memref<125x80xi32, #tpu.memory_space<vmem>>, vector<16xi32>,
      %shift_right_logical3A_143 = arith.constant 4 : i32
      %shift_right_logical3A_144 = vector.broadcast %shift_right_logical3A_143 : i32 to vector<16xi32>
      %shift_right_logical3A_145 = arith.shrui %get3A_142, %shift_right_logical3A_144 : vector<16xi32>
      %and3A_146 = arith.constant 15 : i32
      %and3A_147 = vector.broadcast %and3A_146 : i32 to vector<16xi32>
      %and3A_148 = arith.andi %get3A_142, %and3A_147 : vector<16xi32>
      tpu.vector_store_idx %arg15[%shift_right_logical3A_145, %and3A_148], %broadcast_in_dim3A_3 {add = true} : memref<625x16xf32, #tpu.memory_space<vmem>>[vector<16xi32>, vector<16xi32>], vector<16xf32>,
      %get3A_149 = arith.index_cast %scan3A_98 : i32 to index
      %get3A_150 = arith.constant 32 : index
      %get3A_151 = tpu.vector_load %arg10[%get3A_149, %get3A_150] {strides = array<i32>} : memref<125x80xi32, #tpu.memory_space<vmem>>, vector<16xi32>,
      %shift_right_logical3A_152 = arith.constant 4 : i32
      %shift_right_logical3A_153 = vector.broadcast %shift_right_logical3A_152 : i32 to vector<16xi32>
      %shift_right_logical3A_154 = arith.shrui %get3A_151, %shift_right_logical3A_153 : vector<16xi32>
      %and3A_155 = arith.constant 15 : i32
      %and3A_156 = vector.broadcast %and3A_155 : i32 to vector<16xi32>
      %and3A_157 = arith.andi %get3A_151, %and3A_156 : vector<16xi32>
      tpu.vector_store_idx %arg15[%shift_right_logical3A_154, %and3A_157], %broadcast_in_dim3A_3 {add = true} : memref<625x16xf32, #tpu.memory_space<vmem>>[vector<16xi32>, vector<16xi32>], vector<16xf32>,
      %get3A_158 = arith.index_cast %scan3A_98 : i32 to index
      %get3A_159 = arith.constant 48 : index
      %get3A_160 = tpu.vector_load %arg10[%get3A_158, %get3A_159] {strides = array<i32>} : memref<125x80xi32, #tpu.memory_space<vmem>>, vector<16xi32>,
      %shift_right_logical3A_161 = arith.constant 4 : i32
      %shift_right_logical3A_162 = vector.broadcast %shift_right_logical3A_161 : i32 to vector<16xi32>
      %shift_right_logical3A_163 = arith.shrui %get3A_160, %shift_right_logical3A_162 : vector<16xi32>
      %and3A_164 = arith.constant 15 : i32
      %and3A_165 = vector.broadcast %and3A_164 : i32 to vector<16xi32>
      %and3A_166 = arith.andi %get3A_160, %and3A_165 : vector<16xi32>
      tpu.vector_store_idx %arg15[%shift_right_logical3A_163, %and3A_166], %broadcast_in_dim3A_3 {add = true} : memref<625x16xf32, #tpu.memory_space<vmem>>[vector<16xi32>, vector<16xi32>], vector<16xf32>,
      %get3A_167 = arith.index_cast %scan3A_98 : i32 to index
      %get3A_168 = arith.constant 64 : index
      %get3A_169 = tpu.vector_load %arg10[%get3A_167, %get3A_168] {strides = array<i32>} : memref<125x80xi32, #tpu.memory_space<vmem>>, vector<16xi32>,
      %shift_right_logical3A_170 = arith.constant 4 : i32
      %shift_right_logical3A_171 = vector.broadcast %shift_right_logical3A_170 : i32 to vector<16xi32>
      %shift_right_logical3A_172 = arith.shrui %get3A_169, %shift_right_logical3A_171 : vector<16xi32>
      %and3A_173 = arith.constant 15 : i32
      %and3A_174 = vector.broadcast %and3A_173 : i32 to vector<16xi32>
      %and3A_175 = arith.andi %get3A_169, %and3A_174 : vector<16xi32>
      tpu.vector_store_idx %arg15[%shift_right_logical3A_172, %and3A_175], %broadcast_in_dim3A_3 {add = true} : memref<625x16xf32, #tpu.memory_space<vmem>>[vector<16xi32>, vector<16xi32>], vector<16xf32>,
    }
    %scan3A_52 = arith.constant 125 : i32
    %dma_wait3A = arith.constant 2 : i32
    %dma_wait3A_53 = arith.constant 122 : i32
    %dma_wait3A_54 = arith.constant 2 : i32
    %dma_wait3A_55 = arith.constant 0 : i32
    %dma_wait3A_56 = arith.constant 0 : i32
    %dma_wait3A_57 = tpu.memref_slice %arg11[%dma_wait3A, %dma_wait3A_55, %dma_wait3A_56] : memref<6x80x64xf32, #tpu.memory_space<vmem>> -> memref<1x80x64xf32, #tpu.memory_space<vmem>>
    %dma_wait3A_58 = tpu.memref_squeeze %dma_wait3A_57 : memref<1x80x64xf32, #tpu.memory_space<vmem>> -> memref<80x64xf32, #tpu.memory_space<vmem>>
    %dma_wait3A_59 = arith.constant 0 : i32
    %dma_wait3A_60 = tpu.memref_slice %arg10[%dma_wait3A_53, %dma_wait3A_59] : memref<125x80xi32, #tpu.memory_space<vmem>> -> memref<1x80xi32, #tpu.memory_space<vmem>>
    %dma_wait3A_61 = tpu.memref_squeeze %dma_wait3A_60 : memref<1x80xi32, #tpu.memory_space<vmem>> -> memref<80xi32, #tpu.memory_space<vmem>>
    %dma_wait3A_62 = arith.constant 0 : i32
    %dma_wait3A_63 = arith.constant 0 : i32
    %dma_wait3A_64 = tpu.memref_slice %arg12[%dma_wait3A_62, %dma_wait3A_63] : memref<10240x64xf32, #tpu.memory_space<vmem_shared>> -> memref<10240x64xf32, #tpu.memory_space<vmem_shared>>
    %dma_wait3A_65 = tpu.memref_slice %arg14[%dma_wait3A_54] : memref<6x!tpu.dma_semaphore, #tpu.memory_space<semaphore_mem>> -> memref<1x!tpu.dma_semaphore, #tpu.memory_space<semaphore_mem>>
    %dma_wait3A_66 = tpu.memref_squeeze %dma_wait3A_65 : memref<1x!tpu.dma_semaphore, #tpu.memory_space<semaphore_mem>> -> memref<!tpu.dma_semaphore, #tpu.memory_space<semaphore_mem>>
    tpu.wait_indirect_dma semaphore(%dma_wait3A_66 : memref<!tpu.dma_semaphore, #tpu.memory_space<semaphore_mem>>) src(%dma_wait3A_58 : memref<80x64xf32, #tpu.memory_space<vmem>>) dst(%dma_wait3A_64 : memref<10240x64xf32, #tpu.memory_space<vmem_shared>>)
    %dma_wait3A_67 = arith.constant 3 : i32
    %dma_wait3A_68 = arith.constant 123 : i32
    %dma_wait3A_69 = arith.constant 3 : i32
    %dma_wait3A_70 = arith.constant 0 : i32
    %dma_wait3A_71 = arith.constant 0 : i32
    %dma_wait3A_72 = tpu.memref_slice %arg11[%dma_wait3A_67, %dma_wait3A_70, %dma_wait3A_71] : memref<6x80x64xf32, #tpu.memory_space<vmem>> -> memref<1x80x64xf32, #tpu.memory_space<vmem>>
    %dma_wait3A_73 = tpu.memref_squeeze %dma_wait3A_72 : memref<1x80x64xf32, #tpu.memory_space<vmem>> -> memref<80x64xf32, #tpu.memory_space<vmem>>
    %dma_wait3A_74 = arith.constant 0 : i32
    %dma_wait3A_75 = tpu.memref_slice %arg10[%dma_wait3A_68, %dma_wait3A_74] : memref<125x80xi32, #tpu.memory_space<vmem>> -> memref<1x80xi32, #tpu.memory_space<vmem>>
    %dma_wait3A_76 = tpu.memref_squeeze %dma_wait3A_75 : memref<1x80xi32, #tpu.memory_space<vmem>> -> memref<80xi32, #tpu.memory_space<vmem>>
    %dma_wait3A_77 = arith.constant 0 : i32
    %dma_wait3A_78 = arith.constant 0 : i32
    %dma_wait3A_79 = tpu.memref_slice %arg12[%dma_wait3A_77, %dma_wait3A_78] : memref<10240x64xf32, #tpu.memory_space<vmem_shared>> -> memref<10240x64xf32, #tpu.memory_space<vmem_shared>>
    %dma_wait3A_80 = tpu.memref_slice %arg14[%dma_wait3A_69] : memref<6x!tpu.dma_semaphore, #tpu.memory_space<semaphore_mem>> -> memref<1x!tpu.dma_semaphore, #tpu.memory_space<semaphore_mem>>
    %dma_wait3A_81 = tpu.memref_squeeze %dma_wait3A_80 : memref<1x!tpu.dma_semaphore, #tpu.memory_space<semaphore_mem>> -> memref<!tpu.dma_semaphore, #tpu.memory_space<semaphore_mem>>
    tpu.wait_indirect_dma semaphore(%dma_wait3A_81 : memref<!tpu.dma_semaphore, #tpu.memory_space<semaphore_mem>>) src(%dma_wait3A_73 : memref<80x64xf32, #tpu.memory_space<vmem>>) dst(%dma_wait3A_79 : memref<10240x64xf32, #tpu.memory_space<vmem_shared>>)
    %dma_wait3A_82 = arith.constant 4 : i32
    %dma_wait3A_83 = arith.constant 124 : i32
    %dma_wait3A_84 = arith.constant 4 : i32
    %dma_wait3A_85 = arith.constant 0 : i32
    %dma_wait3A_86 = arith.constant 0 : i32
    %dma_wait3A_87 = tpu.memref_slice %arg11[%dma_wait3A_82, %dma_wait3A_85, %dma_wait3A_86] : memref<6x80x64xf32, #tpu.memory_space<vmem>> -> memref<1x80x64xf32, #tpu.memory_space<vmem>>
    %dma_wait3A_88 = tpu.memref_squeeze %dma_wait3A_87 : memref<1x80x64xf32, #tpu.memory_space<vmem>> -> memref<80x64xf32, #tpu.memory_space<vmem>>
    %dma_wait3A_89 = arith.constant 0 : i32
    %dma_wait3A_90 = tpu.memref_slice %arg10[%dma_wait3A_83, %dma_wait3A_89] : memref<125x80xi32, #tpu.memory_space<vmem>> -> memref<1x80xi32, #tpu.memory_space<vmem>>
    %dma_wait3A_91 = tpu.memref_squeeze %dma_wait3A_90 : memref<1x80xi32, #tpu.memory_space<vmem>> -> memref<80xi32, #tpu.memory_space<vmem>>
    %dma_wait3A_92 = arith.constant 0 : i32
    %dma_wait3A_93 = arith.constant 0 : i32
    %dma_wait3A_94 = tpu.memref_slice %arg12[%dma_wait3A_92, %dma_wait3A_93] : memref<10240x64xf32, #tpu.memory_space<vmem_shared>> -> memref<10240x64xf32, #tpu.memory_space<vmem_shared>>
    %dma_wait3A_95 = tpu.memref_slice %arg14[%dma_wait3A_84] : memref<6x!tpu.dma_semaphore, #tpu.memory_space<semaphore_mem>> -> memref<1x!tpu.dma_semaphore, #tpu.memory_space<semaphore_mem>>
    %dma_wait3A_96 = tpu.memref_squeeze %dma_wait3A_95 : memref<1x!tpu.dma_semaphore, #tpu.memory_space<semaphore_mem>> -> memref<!tpu.dma_semaphore, #tpu.memory_space<semaphore_mem>>
    tpu.wait_indirect_dma semaphore(%dma_wait3A_96 : memref<!tpu.dma_semaphore, #tpu.memory_space<semaphore_mem>>) src(%dma_wait3A_88 : memref<80x64xf32, #tpu.memory_space<vmem>>) dst(%dma_wait3A_94 : memref<10240x64xf32, #tpu.memory_space<vmem_shared>>)
    "tpu.region"() ({
      %run_scoped3A = tpu.sem_alloc : memref<!tpu.dma_semaphore, #tpu.memory_space<semaphore_mem>>
      %dma_start3A_98 = arith.constant 0 : i32
      %dma_start3A_99 = arith.constant 0 : i32
      %dma_start3A_100 = tpu.memref_slice %arg8[%add3A, %dma_start3A_98, %dma_start3A_99] : memref<32x625x16xf32, #tpu.memory_space<hbm>> -> memref<1x625x16xf32, #tpu.memory_space<hbm>>
      %dma_start3A_101 = tpu.memref_squeeze %dma_start3A_100 : memref<1x625x16xf32, #tpu.memory_space<hbm>> -> memref<625x16xf32, #tpu.memory_space<hbm>>
      %dma_start3A_102 = arith.constant 0 : i32
      %dma_start3A_103 = arith.constant 0 : i32
      %dma_start3A_104 = tpu.memref_slice %arg8[%add3A, %dma_start3A_102, %dma_start3A_103] : memref<32x625x16xf32, #tpu.memory_space<hbm>> -> memref<1x625x16xf32, #tpu.memory_space<hbm>>
      %dma_start3A_105 = tpu.memref_squeeze %dma_start3A_104 : memref<1x625x16xf32, #tpu.memory_space<hbm>> -> memref<625x16xf32, #tpu.memory_space<hbm>>
      tpu.enqueue_dma source(%arg15 : memref<625x16xf32, #tpu.memory_space<vmem>>) target(%dma_start3A_105 : memref<625x16xf32, #tpu.memory_space<hbm>>) target_semaphore(%run_scoped3A : memref<!tpu.dma_semaphore, #tpu.memory_space<semaphore_mem>>)
      %dma_wait3A_106 = arith.constant 0 : i32
      %dma_wait3A_107 = arith.constant 0 : i32
      %dma_wait3A_108 = tpu.memref_slice %arg8[%add3A, %dma_wait3A_106, %dma_wait3A_107] : memref<32x625x16xf32, #tpu.memory_space<hbm>> -> memref<1x625x16xf32, #tpu.memory_space<hbm>>
      %dma_wait3A_109 = tpu.memref_squeeze %dma_wait3A_108 : memref<1x625x16xf32, #tpu.memory_space<hbm>> -> memref<625x16xf32, #tpu.memory_space<hbm>>
      %dma_wait3A_110 = arith.constant 0 : i32
      %dma_wait3A_111 = arith.constant 0 : i32
      %dma_wait3A_112 = tpu.memref_slice %arg8[%add3A, %dma_wait3A_110, %dma_wait3A_111] : memref<32x625x16xf32, #tpu.memory_space<hbm>> -> memref<1x625x16xf32, #tpu.memory_space<hbm>>
      %dma_wait3A_113 = tpu.memref_squeeze %dma_wait3A_112 : memref<1x625x16xf32, #tpu.memory_space<hbm>> -> memref<625x16xf32, #tpu.memory_space<hbm>>
      tpu.wait_dma2 semaphore(%run_scoped3A : memref<!tpu.dma_semaphore, #tpu.memory_space<semaphore_mem>>) src(%arg15 : memref<625x16xf32, #tpu.memory_space<vmem>>) dst(%dma_wait3A_113 : memref<625x16xf32, #tpu.memory_space<hbm>>)
      tpu.yield
    }) : () -> ()
    %barrier3A_97 = arith.constant 0 : index
    tpu.barrier barrier_id(%barrier3A_97)
    "tpu.region"() ({
      %run_scoped3A = tpu.sem_alloc : memref<!tpu.dma_semaphore, #tpu.memory_space<semaphore_mem>>
      %dma_start3A_98 = arith.constant 0 : i32
      %dma_start3A_99 = tpu.memref_slice %arg7[%arg0, %mul3A_2, %dma_start3A_98] : memref<2x10240x64xf32, #tpu.memory_space<hbm>> -> memref<1x640x64xf32, #tpu.memory_space<hbm>>
      %dma_start3A_100 = tpu.memref_squeeze %dma_start3A_99 : memref<1x640x64xf32, #tpu.memory_space<hbm>> -> memref<640x64xf32, #tpu.memory_space<hbm>>
      %dma_start3A_101 = arith.constant 0 : i32
      %dma_start3A_102 = tpu.memref_slice %arg12[%mul3A_2, %dma_start3A_101] : memref<10240x64xf32, #tpu.memory_space<vmem_shared>> -> memref<640x64xf32, #tpu.memory_space<vmem_shared>>
      tpu.enqueue_dma source(%dma_start3A_102 : memref<640x64xf32, #tpu.memory_space<vmem_shared>>) target(%dma_start3A_100 : memref<640x64xf32, #tpu.memory_space<hbm>>) target_semaphore(%run_scoped3A : memref<!tpu.dma_semaphore, #tpu.memory_space<semaphore_mem>>)
      %dma_wait3A_103 = arith.constant 0 : i32
      %dma_wait3A_104 = tpu.memref_slice %arg7[%arg0, %mul3A_2, %dma_wait3A_103] : memref<2x10240x64xf32, #tpu.memory_space<hbm>> -> memref<1x640x64xf32, #tpu.memory_space<hbm>>
      %dma_wait3A_105 = tpu.memref_squeeze %dma_wait3A_104 : memref<1x640x64xf32, #tpu.memory_space<hbm>> -> memref<640x64xf32, #tpu.memory_space<hbm>>
      %dma_wait3A_106 = arith.constant 0 : i32
      %dma_wait3A_107 = tpu.memref_slice %arg12[%mul3A_2, %dma_wait3A_106] : memref<10240x64xf32, #tpu.memory_space<vmem_shared>> -> memref<640x64xf32, #tpu.memory_space<vmem_shared>>
      tpu.wait_dma2 semaphore(%run_scoped3A : memref<!tpu.dma_semaphore, #tpu.memory_space<semaphore_mem>>) src(%dma_wait3A_107 : memref<640x64xf32, #tpu.memory_space<vmem_shared>>) dst(%dma_wait3A_105 : memref<640x64xf32, #tpu.memory_space<hbm>>)
      tpu.yield
    }) : () -> ()
    return
  }
}

module attributes {stable_mosaic.version = 14 : i64} {
  func.func @_tc_a_body(%arg0: i32, %arg1: memref<2000x128xf32, #tpu.memory_space<vmem>>, %arg2: memref<128x64xf32, #tpu.memory_space<vmem>>, %arg3: memref<128x64xf32, #tpu.memory_space<vmem>>, %arg4: memref<1x64xf32, #tpu.memory_space<vmem>>, %arg5: memref<2000x64xf32, #tpu.memory_space<vmem>>, %arg6: memref<2000x64xf32, #tpu.memory_space<vmem>>) attributes {dimension_semantics = [#tpu.dimension_semantics<arbitrary>], iteration_bounds = array<i64: 5>, scalar_prefetch = 0 : i64, scratch_operands = 0 : i64, tpu.core_type = #tpu.core_type<tc>, window_params = [{transform_indices = @transform_0, window_bounds = array<i64: 2000, 128>}, {pipeline_mode = #tpu.pipeline_mode<synchronous>, transform_indices = @transform_1, window_bounds = array<i64: 128, 64>}, {pipeline_mode = #tpu.pipeline_mode<synchronous>, transform_indices = @transform_2, window_bounds = array<i64: 128, 64>}, {pipeline_mode = #tpu.pipeline_mode<synchronous>, transform_indices = @transform_3, window_bounds = array<i64: 1, 64>}, {transform_indices = @transform_4, window_bounds = array<i64: 2000, 64>}, {transform_indices = @transform_5, window_bounds = array<i64: 2000, 64>}]} {
    %get3A = arith.constant 0 : index
    %get3A_0 = arith.constant 0 : index
    %get3A_1 = vector.load %arg1[%get3A, %get3A_0] : memref<2000x128xf32, #tpu.memory_space<vmem>>, vector<2000x128xf32>
    %get3A_2 = arith.constant 0 : index
    %get3A_3 = arith.constant 0 : index
    %get3A_4 = vector.load %arg2[%get3A_2, %get3A_3] : memref<128x64xf32, #tpu.memory_space<vmem>>, vector<128x64xf32>
    %dot_general3A = arith.constant dense<0.000000e+00> : vector<2000x64xf32>
    %dot_general3A_5 = tpu.matmul %get3A_1, %get3A_4, %dot_general3A {dimension_numbers = #tpu.dot_dimension_numbers<[1], [0], [0], [1], [0, 0, 1, 1], [], []>, transpose_lhs_hint = false} : vector<2000x128xf32>, vector<128x64xf32>, vector<2000x64xf32> -> vector<2000x64xf32>
    %swap3A = arith.constant 0 : index
    %swap3A_6 = arith.constant 0 : index
    %swap3A_7 = vector.load %arg5[%swap3A, %swap3A_6] : memref<2000x64xf32, #tpu.memory_space<vmem>>, vector<2000x64xf32>
    tpu.vector_store %arg5[%swap3A, %swap3A_6], %dot_general3A_5 {strides = array<i32>} : memref<2000x64xf32, #tpu.memory_space<vmem>>, vector<2000x64xf32>,
    %get3A_8 = arith.constant 0 : index
    %get3A_9 = arith.constant 0 : index
    %get3A_10 = vector.load %arg3[%get3A_8, %get3A_9] : memref<128x64xf32, #tpu.memory_space<vmem>>, vector<128x64xf32>
    %dot_general3A_11 = arith.constant dense<0.000000e+00> : vector<2000x64xf32>
    %dot_general3A_12 = tpu.matmul %get3A_1, %get3A_10, %dot_general3A_11 {dimension_numbers = #tpu.dot_dimension_numbers<[1], [0], [0], [1], [0, 0, 1, 1], [], []>, transpose_lhs_hint = false} : vector<2000x128xf32>, vector<128x64xf32>, vector<2000x64xf32> -> vector<2000x64xf32>
    %get3A_13 = arith.constant 0 : index
    %get3A_14 = arith.constant 0 : index
    %get3A_15 = vector.load %arg4[%get3A_13, %get3A_14] : memref<1x64xf32, #tpu.memory_space<vmem>>, vector<1x64xf32>
    %add3A = vector.broadcast %get3A_15 : vector<1x64xf32> to vector<2000x64xf32>
    %add3A_16 = arith.addf %dot_general3A_12, %add3A : vector<2000x64xf32>
    %swap3A_17 = arith.constant 0 : index
    %swap3A_18 = arith.constant 0 : index
    %swap3A_19 = vector.load %arg6[%swap3A_17, %swap3A_18] : memref<2000x64xf32, #tpu.memory_space<vmem>>, vector<2000x64xf32>
    tpu.vector_store %arg6[%swap3A_17, %swap3A_18], %add3A_16 {strides = array<i32>} : memref<2000x64xf32, #tpu.memory_space<vmem>>, vector<2000x64xf32>,
    return
  }
  func.func @transform_0(%arg0: i32) -> (i32, i32) {
    %c0_i32 = arith.constant 0 : i32
    %c0_i32_0 = arith.constant 0 : i32
    return %arg0, %c0_i32 : i32, i32
  }
  func.func @transform_1(%arg0: i32) -> (i32, i32) {
    %c0_i32 = arith.constant 0 : i32
    %c0_i32_0 = arith.constant 0 : i32
    %c0_i32_1 = arith.constant 0 : i32
    return %c0_i32, %c0_i32_0 : i32, i32
  }
  func.func @transform_2(%arg0: i32) -> (i32, i32) {
    %c0_i32 = arith.constant 0 : i32
    %c0_i32_0 = arith.constant 0 : i32
    %c0_i32_1 = arith.constant 0 : i32
    return %c0_i32, %c0_i32_0 : i32, i32
  }
  func.func @transform_3(%arg0: i32) -> (i32, i32) {
    %c0_i32 = arith.constant 0 : i32
    %c0_i32_0 = arith.constant 0 : i32
    %c0_i32_1 = arith.constant 0 : i32
    return %c0_i32, %c0_i32_0 : i32, i32
  }
  func.func @transform_4(%arg0: i32) -> (i32, i32) {
    %c0_i32 = arith.constant 0 : i32
    %c0_i32_0 = arith.constant 0 : i32
    return %arg0, %c0_i32 : i32, i32
  }
  func.func @transform_5(%arg0: i32) -> (i32, i32) {
    %c0_i32 = arith.constant 0 : i32
    %c0_i32_0 = arith.constant 0 : i32
    return %arg0, %c0_i32 : i32, i32
  }
}

module attributes {stable_mosaic.version = 14 : i64} {
  func.func @_tc_b_body(%arg0: i32, %arg1: memref<2x2000x64xf32, #tpu.memory_space<vmem>>, %arg2: memref<2000x32xf32, #tpu.memory_space<vmem>>, %arg3: memref<2000x64xf32, #tpu.memory_space<vmem>>, %arg4: memref<64x128xf32, #tpu.memory_space<vmem>>, %arg5: memref<1x128xf32, #tpu.memory_space<vmem>>, %arg6: memref<2000x64xf32, #tpu.memory_space<vmem>>, %arg7: memref<2000x128xf32, #tpu.memory_space<vmem>>) attributes {dimension_semantics = [#tpu.dimension_semantics<arbitrary>], iteration_bounds = array<i64: 5>, scalar_prefetch = 0 : i64, scratch_operands = 0 : i64, tpu.core_type = #tpu.core_type<tc>, window_params = [{transform_indices = @transform_0, window_bounds = array<i64: 2, 2000, 64>}, {transform_indices = @transform_1, window_bounds = array<i64: 2000, 32>}, {transform_indices = @transform_2, window_bounds = array<i64: 2000, 64>}, {pipeline_mode = #tpu.pipeline_mode<synchronous>, transform_indices = @transform_3, window_bounds = array<i64: 64, 128>}, {pipeline_mode = #tpu.pipeline_mode<synchronous>, transform_indices = @transform_4, window_bounds = array<i64: 1, 128>}, {transform_indices = @transform_5, window_bounds = array<i64: 2000, 64>}, {transform_indices = @transform_6, window_bounds = array<i64: 2000, 128>}]} {
    %get3A = arith.constant 0 : index
    %get3A_0 = arith.constant 0 : index
    %get3A_1 = arith.constant 0 : index
    %get3A_2 = vector.load %arg1[%get3A, %get3A_0, %get3A_1] : memref<2x2000x64xf32, #tpu.memory_space<vmem>>, vector<1x2000x64xf32>
    %get3A_3 = vector.shape_cast %get3A_2 : vector<1x2000x64xf32> to vector<2000x64xf32>
    %get3A_4 = arith.constant 1 : index
    %get3A_5 = arith.constant 0 : index
    %get3A_6 = arith.constant 0 : index
    %get3A_7 = vector.load %arg1[%get3A_4, %get3A_5, %get3A_6] : memref<2x2000x64xf32, #tpu.memory_space<vmem>>, vector<1x2000x64xf32>
    %get3A_8 = vector.shape_cast %get3A_7 : vector<1x2000x64xf32> to vector<2000x64xf32>
    %add3A = arith.addf %get3A_3, %get3A_8 : vector<2000x64xf32>
    %get3A_9 = arith.constant 0 : index
    %get3A_10 = arith.constant 0 : index
    %get3A_11 = vector.load %arg2[%get3A_9, %get3A_10] : memref<2000x32xf32, #tpu.memory_space<vmem>>, vector<2000x32xf32>
    %reduce_sum3A = arith.constant dense<0.000000e+00> : vector<2000xf32>
    %reduce_sum3A_12 = vector.multi_reduction <add>, %get3A_11, %reduce_sum3A [1] : vector<2000x32xf32> to vector<2000xf32>
    %broadcast_in_dim3A = vector.shape_cast %reduce_sum3A_12 : vector<2000xf32> to vector<2000x1xf32>
    %max3A = arith.constant 1.000000e+00 : f32
    %max3A_13 = vector.broadcast %max3A : f32 to vector<2000x1xf32>
    %max3A_14 = arith.maximumf %broadcast_in_dim3A, %max3A_13 : vector<2000x1xf32>
    %div3A = arith.constant 1.000000e+00 : f32
    %div3A_15 = vector.broadcast %div3A : f32 to vector<2000x1xf32>
    %div3A_16 = arith.divf %div3A_15, %max3A_14 : vector<2000x1xf32>
    %mul3A = vector.broadcast %div3A_16 : vector<2000x1xf32> to vector<2000x64xf32>
    %mul3A_17 = arith.mulf %add3A, %mul3A : vector<2000x64xf32>
    %get3A_18 = arith.constant 0 : index
    %get3A_19 = arith.constant 0 : index
    %get3A_20 = vector.load %arg3[%get3A_18, %get3A_19] : memref<2000x64xf32, #tpu.memory_space<vmem>>, vector<2000x64xf32>
    %add3A_21 = arith.addf %mul3A_17, %get3A_20 : vector<2000x64xf32>
    %max3A_22 = arith.constant 0.000000e+00 : f32
    %max3A_23 = vector.broadcast %max3A_22 : f32 to vector<2000x64xf32>
    %max3A_24 = arith.maximumf %add3A_21, %max3A_23 : vector<2000x64xf32>
    %swap3A = arith.constant 0 : index
    %swap3A_25 = arith.constant 0 : index
    %swap3A_26 = vector.load %arg6[%swap3A, %swap3A_25] : memref<2000x64xf32, #tpu.memory_space<vmem>>, vector<2000x64xf32>
    tpu.vector_store %arg6[%swap3A, %swap3A_25], %max3A_24 {strides = array<i32>} : memref<2000x64xf32, #tpu.memory_space<vmem>>, vector<2000x64xf32>,
    %get3A_27 = arith.constant 0 : index
    %get3A_28 = arith.constant 0 : index
    %get3A_29 = vector.load %arg4[%get3A_27, %get3A_28] : memref<64x128xf32, #tpu.memory_space<vmem>>, vector<64x128xf32>
    %dot_general3A = arith.constant dense<0.000000e+00> : vector<2000x128xf32>
    %dot_general3A_30 = tpu.matmul %max3A_24, %get3A_29, %dot_general3A {dimension_numbers = #tpu.dot_dimension_numbers<[1], [0], [0], [1], [0, 0, 1, 1], [], []>, transpose_lhs_hint = false} : vector<2000x64xf32>, vector<64x128xf32>, vector<2000x128xf32> -> vector<2000x128xf32>
    %get3A_31 = arith.constant 0 : index
    %get3A_32 = arith.constant 0 : index
    %get3A_33 = vector.load %arg5[%get3A_31, %get3A_32] : memref<1x128xf32, #tpu.memory_space<vmem>>, vector<1x128xf32>
    %add3A_34 = vector.broadcast %get3A_33 : vector<1x128xf32> to vector<2000x128xf32>
    %add3A_35 = arith.addf %dot_general3A_30, %add3A_34 : vector<2000x128xf32>
    %swap3A_36 = arith.constant 0 : index
    %swap3A_37 = arith.constant 0 : index
    %swap3A_38 = vector.load %arg7[%swap3A_36, %swap3A_37] : memref<2000x128xf32, #tpu.memory_space<vmem>>, vector<2000x128xf32>
    tpu.vector_store %arg7[%swap3A_36, %swap3A_37], %add3A_35 {strides = array<i32>} : memref<2000x128xf32, #tpu.memory_space<vmem>>, vector<2000x128xf32>,
    return
  }
  func.func @transform_0(%arg0: i32) -> (i32, i32, i32) {
    %c0_i32 = arith.constant 0 : i32
    %c0_i32_0 = arith.constant 0 : i32
    %c0_i32_1 = arith.constant 0 : i32
    return %c0_i32, %arg0, %c0_i32_0 : i32, i32, i32
  }
  func.func @transform_1(%arg0: i32) -> (i32, i32) {
    %c0_i32 = arith.constant 0 : i32
    %c0_i32_0 = arith.constant 0 : i32
    return %arg0, %c0_i32 : i32, i32
  }
  func.func @transform_2(%arg0: i32) -> (i32, i32) {
    %c0_i32 = arith.constant 0 : i32
    %c0_i32_0 = arith.constant 0 : i32
    return %arg0, %c0_i32 : i32, i32
  }
  func.func @transform_3(%arg0: i32) -> (i32, i32) {
    %c0_i32 = arith.constant 0 : i32
    %c0_i32_0 = arith.constant 0 : i32
    %c0_i32_1 = arith.constant 0 : i32
    return %c0_i32, %c0_i32_0 : i32, i32
  }
  func.func @transform_4(%arg0: i32) -> (i32, i32) {
    %c0_i32 = arith.constant 0 : i32
    %c0_i32_0 = arith.constant 0 : i32
    %c0_i32_1 = arith.constant 0 : i32
    return %c0_i32, %c0_i32_0 : i32, i32
  }
  func.func @transform_5(%arg0: i32) -> (i32, i32) {
    %c0_i32 = arith.constant 0 : i32
    %c0_i32_0 = arith.constant 0 : i32
    return %arg0, %c0_i32 : i32, i32
  }
  func.func @transform_6(%arg0: i32) -> (i32, i32) {
    %c0_i32 = arith.constant 0 : i32
    %c0_i32_0 = arith.constant 0 : i32
    return %arg0, %c0_i32 : i32, i32
  }
}

module attributes {stable_mosaic.version = 14 : i64} {
  func.func @_tc_c_body(%arg0: i32, %arg1: memref<2x2000x64xf32, #tpu.memory_space<vmem>>, %arg2: memref<2000x32xf32, #tpu.memory_space<vmem>>, %arg3: memref<64x128xf32, #tpu.memory_space<vmem>>, %arg4: memref<2000x128xf32, #tpu.memory_space<vmem>>, %arg5: memref<2000x128xf32, #tpu.memory_space<vmem>>) attributes {dimension_semantics = [#tpu.dimension_semantics<arbitrary>], iteration_bounds = array<i64: 5>, scalar_prefetch = 0 : i64, scratch_operands = 0 : i64, tpu.core_type = #tpu.core_type<tc>, window_params = [{transform_indices = @transform_0, window_bounds = array<i64: 2, 2000, 64>}, {transform_indices = @transform_1, window_bounds = array<i64: 2000, 32>}, {pipeline_mode = #tpu.pipeline_mode<synchronous>, transform_indices = @transform_2, window_bounds = array<i64: 64, 128>}, {transform_indices = @transform_3, window_bounds = array<i64: 2000, 128>}, {transform_indices = @transform_4, window_bounds = array<i64: 2000, 128>}]} {
    %get3A = arith.constant 0 : index
    %get3A_0 = arith.constant 0 : index
    %get3A_1 = arith.constant 0 : index
    %get3A_2 = vector.load %arg1[%get3A, %get3A_0, %get3A_1] : memref<2x2000x64xf32, #tpu.memory_space<vmem>>, vector<1x2000x64xf32>
    %get3A_3 = vector.shape_cast %get3A_2 : vector<1x2000x64xf32> to vector<2000x64xf32>
    %get3A_4 = arith.constant 1 : index
    %get3A_5 = arith.constant 0 : index
    %get3A_6 = arith.constant 0 : index
    %get3A_7 = vector.load %arg1[%get3A_4, %get3A_5, %get3A_6] : memref<2x2000x64xf32, #tpu.memory_space<vmem>>, vector<1x2000x64xf32>
    %get3A_8 = vector.shape_cast %get3A_7 : vector<1x2000x64xf32> to vector<2000x64xf32>
    %add3A = arith.addf %get3A_3, %get3A_8 : vector<2000x64xf32>
    %get3A_9 = arith.constant 0 : index
    %get3A_10 = arith.constant 0 : index
    %get3A_11 = vector.load %arg2[%get3A_9, %get3A_10] : memref<2000x32xf32, #tpu.memory_space<vmem>>, vector<2000x32xf32>
    %reduce_sum3A = arith.constant dense<0.000000e+00> : vector<2000xf32>
    %reduce_sum3A_12 = vector.multi_reduction <add>, %get3A_11, %reduce_sum3A [1] : vector<2000x32xf32> to vector<2000xf32>
    %broadcast_in_dim3A = vector.shape_cast %reduce_sum3A_12 : vector<2000xf32> to vector<2000x1xf32>
    %max3A = arith.constant 1.000000e+00 : f32
    %max3A_13 = vector.broadcast %max3A : f32 to vector<2000x1xf32>
    %max3A_14 = arith.maximumf %broadcast_in_dim3A, %max3A_13 : vector<2000x1xf32>
    %div3A = vector.broadcast %max3A_14 : vector<2000x1xf32> to vector<2000x64xf32>
    %div3A_15 = arith.divf %add3A, %div3A : vector<2000x64xf32>
    %get3A_16 = arith.constant 0 : index
    %get3A_17 = arith.constant 0 : index
    %get3A_18 = vector.load %arg3[%get3A_16, %get3A_17] : memref<64x128xf32, #tpu.memory_space<vmem>>, vector<64x128xf32>
    %dot_general3A = arith.constant dense<0.000000e+00> : vector<2000x128xf32>
    %dot_general3A_19 = tpu.matmul %div3A_15, %get3A_18, %dot_general3A {dimension_numbers = #tpu.dot_dimension_numbers<[1], [0], [0], [1], [0, 0, 1, 1], [], []>, transpose_lhs_hint = false} : vector<2000x64xf32>, vector<64x128xf32>, vector<2000x128xf32> -> vector<2000x128xf32>
    %get3A_20 = arith.constant 0 : index
    %get3A_21 = arith.constant 0 : index
    %get3A_22 = vector.load %arg4[%get3A_20, %get3A_21] : memref<2000x128xf32, #tpu.memory_space<vmem>>, vector<2000x128xf32>
    %add3A_23 = arith.addf %dot_general3A_19, %get3A_22 : vector<2000x128xf32>
    %swap3A = arith.constant 0 : index
    %swap3A_24 = arith.constant 0 : index
    %swap3A_25 = vector.load %arg5[%swap3A, %swap3A_24] : memref<2000x128xf32, #tpu.memory_space<vmem>>, vector<2000x128xf32>
    tpu.vector_store %arg5[%swap3A, %swap3A_24], %add3A_23 {strides = array<i32>} : memref<2000x128xf32, #tpu.memory_space<vmem>>, vector<2000x128xf32>,
    return
  }
  func.func @transform_0(%arg0: i32) -> (i32, i32, i32) {
    %c0_i32 = arith.constant 0 : i32
    %c0_i32_0 = arith.constant 0 : i32
    %c0_i32_1 = arith.constant 0 : i32
    return %c0_i32, %arg0, %c0_i32_0 : i32, i32, i32
  }
  func.func @transform_1(%arg0: i32) -> (i32, i32) {
    %c0_i32 = arith.constant 0 : i32
    %c0_i32_0 = arith.constant 0 : i32
    return %arg0, %c0_i32 : i32, i32
  }
  func.func @transform_2(%arg0: i32) -> (i32, i32) {
    %c0_i32 = arith.constant 0 : i32
    %c0_i32_0 = arith.constant 0 : i32
    %c0_i32_1 = arith.constant 0 : i32
    return %c0_i32, %c0_i32_0 : i32, i32
  }
  func.func @transform_3(%arg0: i32) -> (i32, i32) {
    %c0_i32 = arith.constant 0 : i32
    %c0_i32_0 = arith.constant 0 : i32
    return %arg0, %c0_i32 : i32, i32
  }
  func.func @transform_4(%arg0: i32) -> (i32, i32) {
    %c0_i32 = arith.constant 0 : i32
    %c0_i32_0 = arith.constant 0 : i32
    return %arg0, %c0_i32 : i32, i32
  }
}

</mosaic_0001>

<sc_bundles>
// kernel: kernel.10.cloned.1.call-start
scs
__scs_entry_jumppad:
0x0: {  	(pc) =	sbr.rel $0x88, $3  }
0x1: {  	(tag) =	ssettag $0x0;
	lr =	simm.s32 $0x1  }
0x2: {  	[smem:$0x3F99] =	sst lr;
	_ =	strace $0xD0000000  }
0x3: {  	_ = 	snop  }
0x4: {  	_ = 	snop  }
0x5: {  	_ = 	snop  }
0x6: {  	_ = 	snop  }
0x7: {  	_ = 	snop  }
__scs_overlays_trampoline_lowered:
0x8: {  	[smem:$0x3FA8] =	sst s0  }
0x9: {  	[smem:$0x3FA9] =	sst s1  }
0xa: {  	[smem:$0x3FAA] =	sst s2  }
0xb: {  	[smem:$0x3FAB] =	sst s3  }
0xc: {  	[smem:$0x3FAC] =	sst s4  }
0xd: {  	[smem:$0x3FAD] =	sst s5  }
0xe: {  	[smem:$0x3FAE] =	sst s6  }
0xf: {  	[smem:$0x3FAF] =	sst s7  }
0x10: {  	[smem:$0x3FB0] =	sst s8  }
0x11: {  	[smem:$0x3FB1] =	sst s9;
	s0 =	simm.s32 @!p0 $0x0  }
0x12: {  	s1 =	sld [smem:$0x3F97];
	s0 =	simm.s32 @p0 $0x1  }
0x13: {  	[smem:$0x3FB2] =	sst s0;
	s0 =	simm.s32 @!p1 $0x0  }
0x14: {  	s2 =	sld [smem:$0x3F96];
	s0 =	simm.s32 @p1 $0x1  }
0x15: {  	[smem:$0x3FB3] =	sst s0;
	s0 =	simm.s32 @!p2 $0x0  }
0x16: {  	s3 =	sld [smem:$0x3FDB];
	s0 =	simm.s32 @p2 $0x1  }
0x17: {  	s4 =	simm.s32 $0x1BF5;
	[smem:$0x3FB5] =	sst s0  }
0x18: {  	s0 =	sld [smem:$0x3F98];
	_ =	swait.ge [sflag:s4], $0x0  }
0x19: {  	s7 =	sld [smem:$0x3F99]  }
0x1a: {  	s8 =	sadd.s32 $0xFFFFE003, lr  }
0x1b: {  	s9 =	sadd.s32 $0xFFFFFEF7, lr;
	s5 =	simm.s32 $0xFFFFFFFF;
	p2 =	slt.u32 s8, $0xFFFFF086  }
0x1c: {  	p1 =	slt.u32 s9, $0xF7A;
	s5 =	simm.s32 @!p2 $0x0  }
0x1d: {  	s5 =	simm.s32 @p1 $0x1;
	p0 =	seq.s32 s7, s2  }
0x1e: {  	s7 =	smul.u32 @!p0 $0xF7A, s2;
	p2 =	seq.s32 @!p0 s5, $0x0  }
0x1f: {  	s9 =	smul.u32 $0xF7A, s1;
	s8 =	simm.s32 @!p0 $0x1BF5;
	p2 =	por !p2, p0  }
0x20: {  	[sflag:s8] =	ssyncset.s32 @!p0 $0xFFFFF086;
	s6 =	sadd.s32 @!p0 s3, s7;
	s7 =	simm.s32 @!p0 $0x108  }
0x21: {  	s3 =	sadd.s32 s3, s9;
	s6 =	sadd.s32 @!p0 $0x88, s6;
	s7 =	simm.s32 @p2 $0x1082  }
0x22: {  	[simem:s7], [sflag:s8] =	dma.local @!p0 [hbm:s6], $0xF7A  }
0x23: {  	s9 =	sor.u32 $0xD0000000, s2;
	s6 =	simm.s32 $0x108;
	_ =	swait.ge @!p0 [sflag:s8], $0x0  }
0x24: {  	s3 =	sadd.s32 $0x88, s3;
	s6 =	simm.s32 @!p1 $0x1082;
	[sflag:s4] =	ssyncset.s32 $0xFFFFF086  }
0x25: {  	[simem:s6], [sflag:s4] =	dma.local [hbm:s3], $0xF7A  }
0x26: {  	[smem:$0x3F99] =	sst s1;
	(tag) =	ssettag s2;
	_ =	strace s9  }
0x27: {  	s1 =	sld [smem:$0x3FA9]  }
0x28: {  	s2 =	sld [smem:$0x3FAA]  }
0x29: {  	s4 =	sld [smem:$0x3FAC]  }
0x2a: {  	p0 =	seq.s32 s5, $0x0;
	s5 =	sld [smem:$0x3FAD]  }
0x2b: {  	s6 =	sld [smem:$0x3FAE]  }
0x2c: {  	s7 =	sld [smem:$0x3FAF]  }
0x2d: {  	s3 =	simm.s32 $0x108;
	s8 =	sld [smem:$0x3FB0]  }
0x2e: {  	s3 =	simm.s32 @!p0 $0x1082;
	s9 =	sld [smem:$0x3FB1]  }
0x2f: {  	lr =	sadd.s32 s0, s3;
	s0 =	sld [smem:$0x3FA8]  }
0x30: {  	s3 =	sld [smem:$0x3FAB]  }
0x31: {  	[smem:$0x3FB4] =	sst s10  }
0x32: {  	s10 =	sld [smem:$0x3FB2];
	_ =	sdelay $0x3  }
0x33: {  	p0 =	seq.s32 s10, $0x1;
	s10 =	sld [smem:$0x3FB4];
	_ =	sdelay $0x3  }
0x34: {  	[smem:$0x3FB4] =	sst s10  }
0x35: {  	s10 =	sld [smem:$0x3FB3];
	_ =	sdelay $0x3  }
0x36: {  	p1 =	seq.s32 s10, $0x1;
	s10 =	sld [smem:$0x3FB4];
	_ =	sdelay $0x3  }
0x37: {  	[smem:$0x3FB4] =	sst s10  }
0x38: {  	s10 =	sld [smem:$0x3FB5]  }
0x39: {  	_ = 	snop;
	(pc) =	sbr.ind lr, $3  }
0x3a: {  	_ = 	snop  }
0x3b: {  	_ = 	snop  }
0x3c: {  	p2 =	seq.s32 s10, $0x1;
	s10 =	sld [smem:$0x3FB4]  }
0x3d: {  	_ =	shalt  }
0x3e: {  	_ =	shalt  }
0x3f: {  	_ =	shalt  }
0x40: {  	_ =	shalt  }
0x41: {  	_ =	shalt  }
0x42: {  	_ =	shalt  }
0x43: {  	_ =	shalt  }
0x44: {  	_ =	shalt  }
0x45: {  	_ =	shalt  }
0x46: {  	_ =	shalt  }
0x47: {  	_ =	shalt  }
0x48: {  	_ =	shalt  }
0x49: {  	_ =	shalt  }
0x4a: {  	_ =	shalt  }
0x4b: {  	_ =	shalt  }
0x4c: {  	_ =	shalt  }
0x4d: {  	_ =	shalt  }
0x4e: {  	_ =	shalt  }
0x4f: {  	_ =	shalt  }
0x50: {  	_ =	shalt  }
0x51: {  	_ =	shalt  }
0x52: {  	_ =	shalt  }
0x53: {  	_ =	shalt  }
0x54: {  	_ =	shalt  }
0x55: {  	_ =	shalt  }
0x56: {  	_ =	shalt  }
0x57: {  	_ =	shalt  }
0x58: {  	_ =	shalt  }
0x59: {  	_ =	shalt  }
0x5a: {  	_ =	shalt  }
0x5b: {  	_ =	shalt  }
0x5c: {  	_ =	shalt  }
0x5d: {  	_ =	shalt  }
0x5e: {  	_ =	shalt  }
0x5f: {  	_ =	shalt  }
0x60: {  	_ =	shalt  }
0x61: {  	_ =	shalt  }
0x62: {  	_ =	shalt  }
0x63: {  	_ =	shalt  }
0x64: {  	_ =	shalt  }
0x65: {  	_ =	shalt  }
0x66: {  	_ =	shalt  }
0x67: {  	_ =	shalt  }
0x68: {  	_ =	shalt  }
0x69: {  	_ =	shalt  }
0x6a: {  	_ =	shalt  }
0x6b: {  	_ =	shalt  }
0x6c: {  	_ =	shalt  }
0x6d: {  	_ =	shalt  }
0x6e: {  	_ =	shalt  }
0x6f: {  	_ =	shalt  }
0x70: {  	_ =	shalt  }
0x71: {  	_ =	shalt  }
0x72: {  	_ =	shalt  }
0x73: {  	_ =	shalt  }
0x74: {  	_ =	shalt  }
0x75: {  	_ =	shalt  }
0x76: {  	_ =	shalt  }
0x77: {  	_ =	shalt  }
0x78: {  	_ =	shalt  }
0x79: {  	_ =	shalt  }
0x7a: {  	_ =	shalt  }
0x7b: {  	_ =	shalt  }
0x7c: {  	_ =	shalt  }
0x7d: {  	_ =	shalt  }
0x7e: {  	_ =	shalt  }
0x7f: {  	_ =	shalt  }
0x80: {  	_ =	shalt  }
0x81: {  	_ =	shalt  }
0x82: {  	_ =	shalt  }
0x83: {  	_ =	shalt  }
0x84: {  	_ =	shalt  }
0x85: {  	_ =	shalt  }
0x86: {  	_ =	shalt  }
0x87: {  	_ =	shalt  }
.Lfunc_end0:
.L_simem_size_0:
called_computation.1_lowered:
.L_overlay_start_0:
0x88: {  	s2 =	sld [smem:$0x3FD9]  }
0x89: {  	s3 =	sld [smem:$0x3FFE];
	_ =	sdelay $0x1  }
0x8a: {  	s1 =	srdreg.scid  }
0x8b: {  	s0 =	sand.u32 $0x1, s1  }
0x8c: {  	s17 =	sshll.u32 s0, $0xA;
	s2 =	sadd.s32 s3, s2  }
0x8d: {  	s2 =	sadd.s32 s2, s17  }
0x8e: {  	[smem:$0x3FC0] =	sst s2  }
0x8f: {  	_ = 	snop  }
0x90: {  	s2 =	sld [smem:$0x3FD0];
	(tm) =	ssettm $0x1  }
0x91: {  	s18 =	sld [smem:$0x3FFB];
	_ =	sdelay $0x3  }
0x92: {  	_ =	strace s18  }
0x93: {  	s3 =	sld [smem:$0x3FFC];
	_ =	sdelay $0x3  }
0x94: {  	_ =	strace s3  }
0x95: {  	s3 =	sld [smem:$0x3FFD];
	_ =	sdelay $0x3  }
0x96: {  	_ =	strace s3  }
0x97: {  	_ =	strace $0x8FFFFFFF  }
0x98: {  	s19 =	sld [smem:$0x3FDB];
	_ =	sdelay $0x1  }
0x99: {  	s4 =	simm.s32 $_scs_section_size  }
0x9a: {  	s5 =	simm.s32 $_size__tile_overlayer_lowered;
	s6 =	simm.s32 $_tile_overlayer_lowered  }
0x9b: {  	s22 =	simm.s32 $0x1BFF;
	s21 =	sshll.u32 s6, $0x1;
	s3 =	sadd.s32 s4, s19  }
0x9c: {  	s7 =	simm.s32 $0x0;
	s20 =	sshll.u32 s5, $0x1;
	s5 =	sadd.s32 s21, s3  }
0x9d: {  	[timem:s7], [sflag:s22] =	dma.local [hbm:s5], s20  }
0x9e: {  	_ =	swait.ge [sflag:s22], s20  }
0x9f: {  	s4 =	ssub.s32 $0x0, s20;
	[sflag:s22] =	ssyncset.done $0x0  }
0xa0: {  	[sflag:s22] =	ssyncadd.s32 s4;
	_ =	sdelay $0x1  }
0xa1: {  	s23 =	simm.s32 $0x1B8B  }
0xa2: {  	_ =	swait.ge [sflag:s23], $0x1  }
0xa3: {  	[sflag:s23] =	ssyncset.done $0x0  }
0xa4: {  	s25 =	simm.s32 $0x1B8E;
	s24 =	sld [smem:$0x3FFE];
	[sflag:s23] =	ssyncadd.s32 $0xFFFFFFFF  }
0xa5: {  	s26 =	simm.s32 $execute0_lowered;
	[smem:$0x3FD2] =	sst s25  }
0xa6: {  	s5 =	sshll.u32 s26, $0x1;
	_ =	strace $0x80000049;
	[dreg:$0x1] =	wrdreg $0xFFFFFFFF  }
0xa7: {  	s28 =	simm.s32 $_size_execute0_lowered;
	s3 =	sadd.s32 s3, s5;
	[dreg:$0x0] =	wrdreg $0x0  }
0xa8: {  	s5 =	sshll.u32 s28, $0x1;
	[dreg:$0x2] =	wrdreg s3  }
0xa9: {  	[dreg:$0x3] =	wrdreg s5  }
0xaa: {  	[dreg:$0x4] =	wrdreg $0xC0  }
0xab: {  	_ =	task [dreg:s7], $0x5FFFF  }
0xac: {  	[dreg:$0x1] =	wrdreg $0xFFFFFFFF  }
0xad: {  	[dreg:$0x0] =	wrdreg $0x60  }
0xae: {  	[dreg:$0x2] =	wrdreg s24  }
0xaf: {  	[dreg:$0x3] =	wrdreg s2  }
0xb0: {  	[dreg:$0x4] =	wrdreg $0xC6200  }
0xb1: {  	[dreg:$0x5] =	wrdreg $0x9  }
0xb2: {  	_ =	task.clear_ibuf [dreg:s7], $0x6FFFF;
	_ =	strace $0x90000049  }
0xb3: {  	s29 =	simm.s32 $0x9;
	_ =	strace $0x8000004B  }
0xb4: {  	_ =	swait.ge [sflag:s29], $0x1  }
0xb5: {  	[sflag:s29] =	ssyncadd.s32 $0xFFFFFFFF  }
0xb6: {  	_ =	strace $0x9000004B  }
0xb7: {  	_ =	sfence  }
0xb8: {  	s30 =	sld [smem:$0x0];
	_ =	sdelay $0x2  }
0xb9: {  	s31 =	sshll.u32 s1, $0xD;
	s1 =	sshrl.u32 s1, $0x2  }
0xba: {  	s3 =	sand.u32 $0x4000, s31;
	s1 =	sadd.s32 s1, s30  }
0xbb: {  	s0 =	sor.u32 s3, s0;
	s1 =	sshll.u32 s1, $0x11  }
0xbc: {  	s0 =	sor.u32 s1, s0  }
0xbd: {  	s0 =	sadd.s32 $0x8F2B, s0  }
0xbe: {  	[sflag:s0] =	ssyncadd.remote.s32 $0x1  }
0xbf: {  	_ =	sfence.sel $0xFFFF  }
0xc0: {  	[dreg:$0x0] =	wrdreg $0xFFFFFFFF;
	(pc) =	sbr.abs _section_cstart, $3  }
0xc1: {  	[dreg:$0x1] =	wrdreg $0xFFFFFFFF  }
0xc2: {  	_ =	task.clear_ibuf [dreg:s7], $0x2FFFF;
	_ =	strace $0x9FFFFFFF  }
0xc3: {  	(tm) =	ssettm $0x7FFFFFFF  }
tec
execute0_lowered:
.L_overlay_start_1:
0x0: {  	(tag) =	ssettag $0x1  }
0x1: {  	s5 =	rddreg [dreg:$0x0]  }
0x2: {  	s7 =	rddreg [dreg:$0x1]  }
0x3: {  	s2 =	rddreg [dreg:$0x2];
	s3 =	srdreg.scid  }
0x4: {  	s1 =	stileid.u32;
	s0 =	rddreg [dreg:$0x3];
	s14 =	simm.s32 $0x4E20  }
0x5: {  	s15 =	simm.s32 $0x6220;
	s16 =	simm.s32 $0xA0;
	s17 =	simm.s32 $0x7620  }
0x6: {  	s18 =	simm.s32 $0x9;
	s19 =	simm.s32 $0xA;
	s20 =	simm.s32 $0xB  }
0x7: {  	s21 =	simm.s32 $0x0;
	s6 =	sand.u32 $0x1, s3;
	s8 =	smul.u32 $0xA000, s1  }
0x8: {  	s3 =	simm.s32 $0x0;
	s31 =	sshll.u32 s1, $0x6;
	s4 =	sshll.u32 s6, $0x4  }
0x9: {  	s9 =	smul.u32 $0xA0000, s6;
	[smem:$0x7FF] =	sst s3;
	s6 =	ssub.s32 $0x2, s6  }
0xa: {  	s4 =	sor.u32 s1, s4;
	_ =	strace $0x8000004A;
	s30 =	sshrl.u32 s6, $0x1  }
0xb: {  	s12 =	sshrl.u32 s8, $0x3;
	s13 =	sadd.s32 s8, s2;
	s10 =	smul.u32 $0x4E2, s4  }
0xc: {  	s9 =	sadd.s32 s8, s9;
	s4 =	sadd.s32 $0x15400, s5;
	s11 =	ssub.s32 s6, s30  }
0xd: {  	s7 =	sadd.s32 s7, s12;
	s12 =	sshrl.u32 s13, $0x3;
	s9 =	sshrl.u32 s9, $0x3  }
0xe: {  	s13 =	simm.s32 $0x50;
	s10 =	sadd.s32 s10, s5;
	s9 =	sadd.s32 s9, s5  }
0xf: {  	s5 =	sadd.s32 $0xB600, s10;
	s6 =	sadd.s32 $0x1800, s10;
	s8 =	sadd.s32 $0x28E00, s9  }
0x10: {  	s9 =	smax.u32 s11, $0x1;
	s10 =	simm.s32 $0xD;
	s11 =	sor.u32 $0x1C0D, s31  }
.LBB2_1:
0x11: {  	[tilespmem:s3], [sflag:$0xD] =	stream.linear.gather [hbm4b:s5+s3], $0x2710, $0x38;
	[tilespmem:$0x16620] =	vst v63  }
0x12: {  	_ =	swait.ge [sflag:s10], $0x2710  }
0x13: {  	[sflag:s10] =	ssyncset.done $0x0  }
0x14: {  	s22 =	simm.s32 $0x2710;
	[sflag:s10] =	ssyncadd.s32 $0xFFFFD8F0  }
0x15: {  	[tilespmem:s22], [sflag:$0xD] =	stream.linear.gather [hbm4b:s6+s3], $0x2710, $0x38;
	[tilespmem:$0x16620] =	vst v63  }
0x16: {  	_ =	swait.ge [sflag:s10], $0x2710  }
0x17: {  	[sflag:s10] =	ssyncset.done $0x0  }
0x18: {  	[sflag:s10] =	ssyncadd.s32 $0xFFFFD8F0  }
0x19: {  	[spmem:s12], [sflag:s11] =	dma.local [hbm:s7], $0x1400  }
0x1a: {  	_ =	swait.ge [sflag:s10], $0x1400  }
0x1b: {  	[sflag:s10] =	ssyncset.done $0x0  }
0x1c: {  	[sflag:s10] =	ssyncadd.s32 $0xFFFFEC00  }
0x1d: {  	[bflag:$0x0] =	sbarrier.arrive $0xFFFF  }
0x1e: {  	[tilespmem:s14], [sflag:$0x1] =	stream.indirect.gather [hbm4b:s4+s13], $0x40, s3, s13, $0xb8;
	[tilespmem:$0x16620] =	vst v63  }
0x1f: {  	_ = 	snop  }
0x20: {  	[tilespmem:s15], [sflag:$0x2] =	stream.indirect.gather [hbm4b:s4+s13], $0x40, s13, s13, $0xb8;
	[tilespmem:$0x16620] =	vst v63  }
0x21: {  	s23 =	simm.s32 $0xF0;
	s24 =	simm.s32 $0x0  }
0x22: {  	[tilespmem:s17], [sflag:$0x3] =	stream.indirect.gather [hbm4b:s4+s13], $0x40, s16, s13, $0xb8;
	[tilespmem:$0x16620] =	vst v63  }
.LBB2_2:
0x23: {  	p0 =	slt.u32 s24, $0x3  }
0x24: {  	s25 =	sadd.s32 @!p0 $0xFFFFFFFD, s24  }
0x25: {  	s26 =	sand.u32 @!p0 $0xFF, s25  }
0x26: {  	s26 =	smul.u32 @!p0 $0xAB, s26;
	_ =	sdelay $0x1  }
0x27: {  	s26 =	sshrl.u32 @!p0 s26, $0xA  }
0x28: {  	s26 =	smul.u32 @!p0 $0x6, s26;
	_ =	sdelay $0x1  }
0x29: {  	s25 =	ssub.s32 @!p0 s25, s26  }
0x2a: {  	s25 =	sand.u32 @!p0 $0xFF, s25  }
0x2b: {  	s25 =	sadd.s32 @!p0 $0x7, s25  }
0x2c: {  	p1 =	sgt.u32 @!p0 s24, $0x79;
	_ =	swait.ge @!p0 [sflag:s25], $0x1400  }
0x2d: {  	p1 =	por p0, !p1;
	[sflag:s25] =	ssyncset.done @!p0 $0x0  }
0x2e: {  	[sflag:s25] =	ssyncadd.s32 @!p0 $0xFFFFEC00;
	s25 =	sadd.s32 @p1 $0x3, s24  }
0x2f: {  	s26 =	smul.u32 @p1 $0xAB, s25;
	_ =	sdelay $0x1  }
0x30: {  	s26 =	sshrl.u32 @p1 s26, $0xA  }
0x31: {  	s26 =	sand.u32 @p1 $0x3F, s26  }
0x32: {  	s26 =	smul.u32 @p1 $0x6, s26;
	_ =	sdelay $0x1  }
0x33: {  	s25 =	ssub.s32 @p1 s25, s26  }
0x34: {  	s25 =	sand.u32 @p1 $0xFF, s25  }
0x35: {  	s26 =	smul.u32 @p1 $0x5000, s25;
	_ =	sdelay $0x1  }
0x36: {  	s26 =	sshrl.u32 @p1 s26, $0x2  }
0x37: {  	s29 =	smul.u32 $0xAB, s24;
	s25 =	sadd.s32 @p1 $0x1, s25;
	s26 =	sadd.s32 @p1 $0x4E20, s26  }
0x38: {  	[tilespmem:s26], [sflag:s25] =	stream.indirect.gather @p1 [hbm4b:s4+s13], $0x40, s23, s13, $0xb8;
	[tilespmem:$0x16620] =	vst v63  }
0x39: {  	s25 =	sshrl.u32 s29, $0xA  }
0x3a: {  	s25 =	sand.u32 $0x3F, s25  }
0x3b: {  	s25 =	smul.u32 $0x6, s25;
	_ =	sdelay $0x1  }
0x3c: {  	s25 =	ssub.s32 s24, s25  }
0x3d: {  	s24 =	sadd.s32 $0x1, s24;
	s25 =	sand.u32 $0xFF, s25  }
0x3e: {  	p0 =	sne.s32 s24, $0x7D;
	s30 =	sadd.s32 $0x1, s25;
	s28 =	smul.u32 $0x5000, s25  }
.Ltmp0:
0x3f: {  	_ =	swait.ge [sflag:s30], $0x1400;
	(pc) =	sbr.rel @p0 .LBB2_2-.Ltmp0, $4  }
0x40: {  	[sflag:s30] =	ssyncset.done $0x0;
	s28 =	sshrl.u32 s28, $0x2  }
0x41: {  	s25 =	sadd.s32 $0x7, s25;
	[sflag:s30] =	ssyncadd.s32 $0xFFFFEC00;
	s31 =	sadd.s32 $0x4E20, s28  }
0x42: {  	[spmem:s2] =	stream.indirect.scatter.add.f32 [tilespmem:s31], [sflag:s25], $0x40, s22, s13, $0xb8;
	[tilespmem:$0x16620] =	vst v63  }
0x43: {  	s23 =	sadd.s32 $0x50, s23;
	s22 =	sadd.s32 $0x50, s22  }
0x44: {  	_ =	swait.ge [sflag:s18], $0x1400  }
0x45: {  	[sflag:s18] =	ssyncset.done $0x0  }
0x46: {  	[sflag:s18] =	ssyncadd.s32 $0xFFFFEC00  }
0x47: {  	_ =	swait.ge [sflag:s19], $0x1400  }
0x48: {  	[sflag:s19] =	ssyncset.done $0x0  }
0x49: {  	[sflag:s19] =	ssyncadd.s32 $0xFFFFEC00  }
0x4a: {  	_ =	swait.ge [sflag:s20], $0x1400  }
0x4b: {  	s21 =	sadd.s32 $0x1, s21;
	[sflag:s20] =	ssyncset.done $0x0  }
0x4c: {  	p0 =	sne.s32 s21, s9;
	[sflag:s20] =	ssyncadd.s32 $0xFFFFEC00  }
.Ltmp1:
0x4d: {  	[bflag:$0x0] =	sbarrier.arrive $0xFFFF;
	(pc) =	sbr.rel @p0 .LBB2_1-.Ltmp1, $4  }
0x4e: {  	[hbm:s8], [sflag:s11] =	dma.local [spmem:s12], $0x1400  }
0x4f: {  	_ =	swait.ge [sflag:s10], $0x1400  }
0x50: {  	[sflag:s10] =	ssyncset.done $0x0  }
0x51: {  	[sflag:s10] =	ssyncadd.s32 $0xFFFFEC00  }
0x52: {  	_ =	sfence.sel $0x180000  }
0x53: {  	[bflag:$0x0] =	sbarrier.arrive $0xFFFF  }
0x54: {  	p0 =	sne.s32 s1, $0x0;
	_ =	strace $0x9000004A  }
0x55: {  	s0 =	sadd.s32 @!p0 $0x100000, s0;
	[bflag:$0x2] =	sbarrier.arrive $0xFFFF  }
0x56: {  	[sflag:s0] =	ssyncadd.tile.s32 @!p0 $0x1;
	_ =	shalt  }
.Lfunc_end2:
_tile_overlayer_lowered:
.L_overlay_start_2:
0x57: {  	(tag) =	ssettag $0x2  }
0x58: {  	s0 =	rddreg [dreg:$0x0];
	s2 =	stileid.u32  }
0x59: {  	s1 =	rddreg [dreg:$0x1];
	p0 =	sne.s32 s2, $0x0  }
0x5a: {  	s3 =	rddreg [dreg:$0x2];
	[bflag:$0x3] =	sbarrier.arrive $0xFFFF;
	s2 =	simm.s32 @!p0 $0x1C0D  }
0x5b: {  	[timem:s3], [sflag:s2] =	dma.local @!p0 [hbm:s0], s1  }
0x5c: {  	s0 =	simm.s32 @!p0 $0xD  }
0x5d: {  	_ =	swait.ge @!p0 [sflag:s0], s1  }
0x5e: {  	s1 =	ssub.s32 @!p0 $0x0, s1;
	[sflag:s0] =	ssyncset.done @!p0 $0x0  }
0x5f: {  	[sflag:s0] =	ssyncadd.s32 @!p0 s1  }
0x60: {  	[bflag:$0x3] =	sbarrier.arrive $0xFFFF  }
0x61: {  	_ =	shalt  }

// kernel: kernel.7.cloned.1.call-start
scs
__scs_entry_jumppad:
0x0: {  	(pc) =	sbr.rel $0x88, $3  }
0x1: {  	(tag) =	ssettag $0x0;
	lr =	simm.s32 $0x1  }
0x2: {  	[smem:$0x3F99] =	sst lr;
	_ =	strace $0xD0000000  }
0x3: {  	_ = 	snop  }
0x4: {  	_ = 	snop  }
0x5: {  	_ = 	snop  }
0x6: {  	_ = 	snop  }
0x7: {  	_ = 	snop  }
__scs_overlays_trampoline_lowered:
0x8: {  	[smem:$0x3FA8] =	sst s0  }
0x9: {  	[smem:$0x3FA9] =	sst s1  }
0xa: {  	[smem:$0x3FAA] =	sst s2  }
0xb: {  	[smem:$0x3FAB] =	sst s3  }
0xc: {  	[smem:$0x3FAC] =	sst s4  }
0xd: {  	[smem:$0x3FAD] =	sst s5  }
0xe: {  	[smem:$0x3FAE] =	sst s6  }
0xf: {  	[smem:$0x3FAF] =	sst s7  }
0x10: {  	[smem:$0x3FB0] =	sst s8  }
0x11: {  	[smem:$0x3FB1] =	sst s9;
	s0 =	simm.s32 @!p0 $0x0  }
0x12: {  	s1 =	sld [smem:$0x3F97];
	s0 =	simm.s32 @p0 $0x1  }
0x13: {  	[smem:$0x3FB2] =	sst s0;
	s0 =	simm.s32 @!p1 $0x0  }
0x14: {  	s2 =	sld [smem:$0x3F96];
	s0 =	simm.s32 @p1 $0x1  }
0x15: {  	[smem:$0x3FB3] =	sst s0;
	s0 =	simm.s32 @!p2 $0x0  }
0x16: {  	s3 =	sld [smem:$0x3FDB];
	s0 =	simm.s32 @p2 $0x1  }
0x17: {  	s4 =	simm.s32 $0x1BF5;
	[smem:$0x3FB5] =	sst s0  }
0x18: {  	s0 =	sld [smem:$0x3F98];
	_ =	swait.ge [sflag:s4], $0x0  }
0x19: {  	s7 =	sld [smem:$0x3F99]  }
0x1a: {  	s8 =	sadd.s32 $0xFFFFE003, lr  }
0x1b: {  	s9 =	sadd.s32 $0xFFFFFEF7, lr;
	s5 =	simm.s32 $0xFFFFFFFF;
	p2 =	slt.u32 s8, $0xFFFFF086  }
0x1c: {  	p1 =	slt.u32 s9, $0xF7A;
	s5 =	simm.s32 @!p2 $0x0  }
0x1d: {  	s5 =	simm.s32 @p1 $0x1;
	p0 =	seq.s32 s7, s2  }
0x1e: {  	s7 =	smul.u32 @!p0 $0xF7A, s2;
	p2 =	seq.s32 @!p0 s5, $0x0  }
0x1f: {  	s9 =	smul.u32 $0xF7A, s1;
	s8 =	simm.s32 @!p0 $0x1BF5;
	p2 =	por !p2, p0  }
0x20: {  	[sflag:s8] =	ssyncset.s32 @!p0 $0xFFFFF086;
	s6 =	sadd.s32 @!p0 s3, s7;
	s7 =	simm.s32 @!p0 $0x108  }
0x21: {  	s3 =	sadd.s32 s3, s9;
	s6 =	sadd.s32 @!p0 $0x88, s6;
	s7 =	simm.s32 @p2 $0x1082  }
0x22: {  	[simem:s7], [sflag:s8] =	dma.local @!p0 [hbm:s6], $0xF7A  }
0x23: {  	s9 =	sor.u32 $0xD0000000, s2;
	s6 =	simm.s32 $0x108;
	_ =	swait.ge @!p0 [sflag:s8], $0x0  }
0x24: {  	s3 =	sadd.s32 $0x88, s3;
	s6 =	simm.s32 @!p1 $0x1082;
	[sflag:s4] =	ssyncset.s32 $0xFFFFF086  }
0x25: {  	[simem:s6], [sflag:s4] =	dma.local [hbm:s3], $0xF7A  }
0x26: {  	[smem:$0x3F99] =	sst s1;
	(tag) =	ssettag s2;
	_ =	strace s9  }
0x27: {  	s1 =	sld [smem:$0x3FA9]  }
0x28: {  	s2 =	sld [smem:$0x3FAA]  }
0x29: {  	s4 =	sld [smem:$0x3FAC]  }
0x2a: {  	p0 =	seq.s32 s5, $0x0;
	s5 =	sld [smem:$0x3FAD]  }
0x2b: {  	s6 =	sld [smem:$0x3FAE]  }
0x2c: {  	s7 =	sld [smem:$0x3FAF]  }
0x2d: {  	s3 =	simm.s32 $0x108;
	s8 =	sld [smem:$0x3FB0]  }
0x2e: {  	s3 =	simm.s32 @!p0 $0x1082;
	s9 =	sld [smem:$0x3FB1]  }
0x2f: {  	lr =	sadd.s32 s0, s3;
	s0 =	sld [smem:$0x3FA8]  }
0x30: {  	s3 =	sld [smem:$0x3FAB]  }
0x31: {  	[smem:$0x3FB4] =	sst s10  }
0x32: {  	s10 =	sld [smem:$0x3FB2];
	_ =	sdelay $0x3  }
0x33: {  	p0 =	seq.s32 s10, $0x1;
	s10 =	sld [smem:$0x3FB4];
	_ =	sdelay $0x3  }
0x34: {  	[smem:$0x3FB4] =	sst s10  }
0x35: {  	s10 =	sld [smem:$0x3FB3];
	_ =	sdelay $0x3  }
0x36: {  	p1 =	seq.s32 s10, $0x1;
	s10 =	sld [smem:$0x3FB4];
	_ =	sdelay $0x3  }
0x37: {  	[smem:$0x3FB4] =	sst s10  }
0x38: {  	s10 =	sld [smem:$0x3FB5]  }
0x39: {  	_ = 	snop;
	(pc) =	sbr.ind lr, $3  }
0x3a: {  	_ = 	snop  }
0x3b: {  	_ = 	snop  }
0x3c: {  	p2 =	seq.s32 s10, $0x1;
	s10 =	sld [smem:$0x3FB4]  }
0x3d: {  	_ =	shalt  }
0x3e: {  	_ =	shalt  }
0x3f: {  	_ =	shalt  }
0x40: {  	_ =	shalt  }
0x41: {  	_ =	shalt  }
0x42: {  	_ =	shalt  }
0x43: {  	_ =	shalt  }
0x44: {  	_ =	shalt  }
0x45: {  	_ =	shalt  }
0x46: {  	_ =	shalt  }
0x47: {  	_ =	shalt  }
0x48: {  	_ =	shalt  }
0x49: {  	_ =	shalt  }
0x4a: {  	_ =	shalt  }
0x4b: {  	_ =	shalt  }
0x4c: {  	_ =	shalt  }
0x4d: {  	_ =	shalt  }
0x4e: {  	_ =	shalt  }
0x4f: {  	_ =	shalt  }
0x50: {  	_ =	shalt  }
0x51: {  	_ =	shalt  }
0x52: {  	_ =	shalt  }
0x53: {  	_ =	shalt  }
0x54: {  	_ =	shalt  }
0x55: {  	_ =	shalt  }
0x56: {  	_ =	shalt  }
0x57: {  	_ =	shalt  }
0x58: {  	_ =	shalt  }
0x59: {  	_ =	shalt  }
0x5a: {  	_ =	shalt  }
0x5b: {  	_ =	shalt  }
0x5c: {  	_ =	shalt  }
0x5d: {  	_ =	shalt  }
0x5e: {  	_ =	shalt  }
0x5f: {  	_ =	shalt  }
0x60: {  	_ =	shalt  }
0x61: {  	_ =	shalt  }
0x62: {  	_ =	shalt  }
0x63: {  	_ =	shalt  }
0x64: {  	_ =	shalt  }
0x65: {  	_ =	shalt  }
0x66: {  	_ =	shalt  }
0x67: {  	_ =	shalt  }
0x68: {  	_ =	shalt  }
0x69: {  	_ =	shalt  }
0x6a: {  	_ =	shalt  }
0x6b: {  	_ =	shalt  }
0x6c: {  	_ =	shalt  }
0x6d: {  	_ =	shalt  }
0x6e: {  	_ =	shalt  }
0x6f: {  	_ =	shalt  }
0x70: {  	_ =	shalt  }
0x71: {  	_ =	shalt  }
0x72: {  	_ =	shalt  }
0x73: {  	_ =	shalt  }
0x74: {  	_ =	shalt  }
0x75: {  	_ =	shalt  }
0x76: {  	_ =	shalt  }
0x77: {  	_ =	shalt  }
0x78: {  	_ =	shalt  }
0x79: {  	_ =	shalt  }
0x7a: {  	_ =	shalt  }
0x7b: {  	_ =	shalt  }
0x7c: {  	_ =	shalt  }
0x7d: {  	_ =	shalt  }
0x7e: {  	_ =	shalt  }
0x7f: {  	_ =	shalt  }
0x80: {  	_ =	shalt  }
0x81: {  	_ =	shalt  }
0x82: {  	_ =	shalt  }
0x83: {  	_ =	shalt  }
0x84: {  	_ =	shalt  }
0x85: {  	_ =	shalt  }
0x86: {  	_ =	shalt  }
0x87: {  	_ =	shalt  }
.Lfunc_end0:
.L_simem_size_0:
called_computation_lowered:
.L_overlay_start_0:
0x88: {  	s2 =	sld [smem:$0x3FD9]  }
0x89: {  	s3 =	sld [smem:$0x3FFE];
	_ =	sdelay $0x1  }
0x8a: {  	s1 =	srdreg.scid  }
0x8b: {  	s0 =	sand.u32 $0x1, s1  }
0x8c: {  	s17 =	sshll.u32 s0, $0xA;
	s2 =	sadd.s32 s3, s2  }
0x8d: {  	s2 =	sadd.s32 s2, s17  }
0x8e: {  	[smem:$0x3FC0] =	sst s2  }
0x8f: {  	_ = 	snop  }
0x90: {  	s2 =	sld [smem:$0x3FD0];
	(tm) =	ssettm $0x1  }
0x91: {  	s18 =	sld [smem:$0x3FFB];
	_ =	sdelay $0x3  }
0x92: {  	_ =	strace s18  }
0x93: {  	s3 =	sld [smem:$0x3FFC];
	_ =	sdelay $0x3  }
0x94: {  	_ =	strace s3  }
0x95: {  	s3 =	sld [smem:$0x3FFD];
	_ =	sdelay $0x3  }
0x96: {  	_ =	strace s3  }
0x97: {  	_ =	strace $0x8FFFFFFF  }
0x98: {  	s19 =	sld [smem:$0x3FDB];
	_ =	sdelay $0x1  }
0x99: {  	s4 =	simm.s32 $_scs_section_size  }
0x9a: {  	s5 =	simm.s32 $_size__tile_overlayer_lowered;
	s6 =	simm.s32 $_tile_overlayer_lowered  }
0x9b: {  	s22 =	simm.s32 $0x1BFF;
	s21 =	sshll.u32 s6, $0x1;
	s3 =	sadd.s32 s4, s19  }
0x9c: {  	s7 =	simm.s32 $0x0;
	s20 =	sshll.u32 s5, $0x1;
	s5 =	sadd.s32 s21, s3  }
0x9d: {  	[timem:s7], [sflag:s22] =	dma.local [hbm:s5], s20  }
0x9e: {  	_ =	swait.ge [sflag:s22], s20  }
0x9f: {  	s4 =	ssub.s32 $0x0, s20;
	[sflag:s22] =	ssyncset.done $0x0  }
0xa0: {  	[sflag:s22] =	ssyncadd.s32 s4;
	_ =	sdelay $0x1  }
0xa1: {  	s23 =	simm.s32 $0x1B8B  }
0xa2: {  	_ =	swait.ge [sflag:s23], $0x1  }
0xa3: {  	[sflag:s23] =	ssyncset.done $0x0  }
0xa4: {  	s25 =	simm.s32 $0x1B8E;
	s24 =	sld [smem:$0x3FFE];
	[sflag:s23] =	ssyncadd.s32 $0xFFFFFFFF  }
0xa5: {  	s26 =	simm.s32 $execute0_lowered;
	[smem:$0x3FD2] =	sst s25  }
0xa6: {  	s5 =	sshll.u32 s26, $0x1;
	_ =	strace $0x80000046;
	[dreg:$0x1] =	wrdreg $0xFFFFFFFF  }
0xa7: {  	s28 =	simm.s32 $_size_execute0_lowered;
	s3 =	sadd.s32 s3, s5;
	[dreg:$0x0] =	wrdreg $0x0  }
0xa8: {  	s5 =	sshll.u32 s28, $0x1;
	[dreg:$0x2] =	wrdreg s3  }
0xa9: {  	[dreg:$0x3] =	wrdreg s5  }
0xaa: {  	[dreg:$0x4] =	wrdreg $0xC0  }
0xab: {  	_ =	task [dreg:s7], $0x5FFFF  }
0xac: {  	[dreg:$0x1] =	wrdreg $0xFFFFFFFF  }
0xad: {  	[dreg:$0x0] =	wrdreg $0x60  }
0xae: {  	[dreg:$0x2] =	wrdreg s24  }
0xaf: {  	[dreg:$0x3] =	wrdreg s2  }
0xb0: {  	[dreg:$0x4] =	wrdreg $0xC6200  }
0xb1: {  	[dreg:$0x5] =	wrdreg $0x9  }
0xb2: {  	_ =	task.clear_ibuf [dreg:s7], $0x6FFFF;
	_ =	strace $0x90000046  }
0xb3: {  	s29 =	simm.s32 $0x9;
	_ =	strace $0x80000048  }
0xb4: {  	_ =	swait.ge [sflag:s29], $0x1  }
0xb5: {  	[sflag:s29] =	ssyncadd.s32 $0xFFFFFFFF  }
0xb6: {  	_ =	strace $0x90000048  }
0xb7: {  	_ =	sfence  }
0xb8: {  	s30 =	sld [smem:$0x0];
	_ =	sdelay $0x2  }
0xb9: {  	s31 =	sshll.u32 s1, $0xD;
	s1 =	sshrl.u32 s1, $0x2  }
0xba: {  	s3 =	sand.u32 $0x4000, s31;
	s1 =	sadd.s32 s1, s30  }
0xbb: {  	s0 =	sor.u32 s3, s0;
	s1 =	sshll.u32 s1, $0x11  }
0xbc: {  	s0 =	sor.u32 s1, s0  }
0xbd: {  	s0 =	sadd.s32 $0x8F2B, s0  }
0xbe: {  	[sflag:s0] =	ssyncadd.remote.s32 $0x1  }
0xbf: {  	_ =	sfence.sel $0xFFFF  }
0xc0: {  	[dreg:$0x0] =	wrdreg $0xFFFFFFFF;
	(pc) =	sbr.abs _section_cstart, $3  }
0xc1: {  	[dreg:$0x1] =	wrdreg $0xFFFFFFFF  }
0xc2: {  	_ =	task.clear_ibuf [dreg:s7], $0x2FFFF;
	_ =	strace $0x9FFFFFFF  }
0xc3: {  	(tm) =	ssettm $0x7FFFFFFF  }
tec
execute0_lowered:
.L_overlay_start_1:
0x0: {  	(tag) =	ssettag $0x1  }
0x1: {  	s6 =	rddreg [dreg:$0x0]  }
0x2: {  	s8 =	rddreg [dreg:$0x1]  }
0x3: {  	s2 =	rddreg [dreg:$0x2];
	s3 =	srdreg.scid  }
0x4: {  	s0 =	rddreg [dreg:$0x3];
	s1 =	stileid.u32;
	s15 =	simm.s32 $0x16620  }
0x5: {  	s16 =	simm.s32 $0x50;
	s17 =	simm.s32 $0x4E20;
	s18 =	simm.s32 $0x6220  }
0x6: {  	s19 =	simm.s32 $0xA0;
	s20 =	simm.s32 $0x7620;
	s21 =	simm.s32 $0x9  }
0x7: {  	s22 =	simm.s32 $0xA;
	s23 =	simm.s32 $0xB;
	s24 =	simm.s32 $0x0  }
0x8: {  	s7 =	sand.u32 $0x1, s3;
	s3 =	simm.s32 $0x0;
	s9 =	smul.u32 $0xA000, s1  }
0x9: {  	s13 =	sshll.u32 s1, $0x6;
	s4 =	sshll.u32 s7, $0x4;
	[smem:$0x7FF] =	sst s3  }
0xa: {  	s10 =	smul.u32 $0xA0000, s7;
	s7 =	ssub.s32 $0x2, s7;
	s13 =	sor.u32 $0x1C0D, s13  }
0xb: {  	s5 =	sor.u32 s1, s4;
	_ =	strace $0x80000047;
	s4 =	sadd.s32 $0x15400, s6  }
0xc: {  	s12 =	sshrl.u32 s7, $0x1;
	s14 =	sadd.s32 s9, s2;
	s11 =	smul.u32 $0x4E2, s5  }
0xd: {  	s5 =	sadd.s32 $0x28E00, s6;
	s10 =	sadd.s32 s9, s10;
	s12 =	ssub.s32 s7, s12  }
0xe: {  	s9 =	sshrl.u32 s9, $0x3;
	s14 =	sshrl.u32 s14, $0x3;
	s10 =	sshrl.u32 s10, $0x3  }
0xf: {  	s8 =	sadd.s32 s8, s9;
	s11 =	sadd.s32 s11, s6;
	s10 =	sadd.s32 s10, s6  }
0x10: {  	s6 =	sadd.s32 $0xB600, s11;
	s7 =	sadd.s32 $0x1800, s11;
	s9 =	sadd.s32 $0x29400, s11  }
0x11: {  	v0 =	vimm.f32 $1.000000000e+00;
	s10 =	sadd.s32 $0x33200, s10;
	s11 =	smax.u32 s12, $0x1;
	s12 =	simm.s32 $0xD  }
.LBB2_1:
0x12: {  	[tilespmem:s3], [sflag:$0xD] =	stream.linear.gather [hbm4b:s6+s3], $0x2710, $0x38;
	[tilespmem:$0x18D30] =	vst v63  }
0x13: {  	_ =	swait.ge [sflag:s12], $0x2710  }
0x14: {  	[sflag:s12] =	ssyncset.done $0x0  }
0x15: {  	s25 =	simm.s32 $0x2710;
	[sflag:s12] =	ssyncadd.s32 $0xFFFFD8F0  }
0x16: {  	[tilespmem:s25], [sflag:$0xD] =	stream.linear.gather [hbm4b:s7+s3], $0x2710, $0x38;
	[tilespmem:$0x18D30] =	vst v63  }
0x17: {  	_ =	swait.ge [sflag:s12], $0x2710  }
0x18: {  	[sflag:s12] =	ssyncset.done $0x0  }
0x19: {  	[sflag:s12] =	ssyncadd.s32 $0xFFFFD8F0  }
0x1a: {  	[spmem:s14], [sflag:s13] =	dma.local [hbm:s8], $0x1400  }
0x1b: {  	_ =	swait.ge [sflag:s12], $0x1400  }
0x1c: {  	[sflag:s12] =	ssyncset.done $0x0  }
0x1d: {  	[sflag:s12] =	ssyncadd.s32 $0xFFFFEC00  }
0x1e: {  	[tilespmem:s15], [sflag:$0xD] =	stream.linear.gather [hbm4b:s5+s3], $0x2710, $0x38;
	[tilespmem:$0x18D30] =	vst v63  }
0x1f: {  	_ =	swait.ge [sflag:s12], $0x2710  }
0x20: {  	[sflag:s12] =	ssyncset.done $0x0  }
0x21: {  	[sflag:s12] =	ssyncadd.s32 $0xFFFFD8F0  }
0x22: {  	[bflag:$0x0] =	sbarrier.arrive $0xFFFF  }
0x23: {  	[tilespmem:s17], [sflag:$0x1] =	stream.indirect.gather [hbm4b:s4+s16], $0x40, s3, s16, $0xb8;
	[tilespmem:$0x18D30] =	vst v63  }
0x24: {  	_ = 	snop  }
0x25: {  	[tilespmem:s18], [sflag:$0x2] =	stream.indirect.gather [hbm4b:s4+s16], $0x40, s16, s16, $0xb8;
	[tilespmem:$0x18D30] =	vst v63  }
0x26: {  	s26 =	simm.s32 $0xF0;
	s28 =	simm.s32 $0x0  }
0x27: {  	[tilespmem:s20], [sflag:$0x3] =	stream.indirect.gather [hbm4b:s4+s16], $0x40, s19, s16, $0xb8;
	[tilespmem:$0x18D30] =	vst v63  }
.LBB2_2:
0x28: {  	p0 =	slt.u32 s28, $0x3  }
0x29: {  	s29 =	sadd.s32 @!p0 $0xFFFFFFFD, s28  }
0x2a: {  	s30 =	sand.u32 @!p0 $0xFF, s29  }
0x2b: {  	s30 =	smul.u32 @!p0 $0xAB, s30;
	_ =	sdelay $0x1  }
0x2c: {  	s30 =	sshrl.u32 @!p0 s30, $0xA  }
0x2d: {  	s30 =	smul.u32 @!p0 $0x6, s30;
	_ =	sdelay $0x1  }
0x2e: {  	s29 =	ssub.s32 @!p0 s29, s30  }
0x2f: {  	s29 =	sand.u32 @!p0 $0xFF, s29  }
0x30: {  	s29 =	sadd.s32 @!p0 $0x7, s29  }
0x31: {  	p1 =	sgt.u32 @!p0 s28, $0x79;
	_ =	swait.ge @!p0 [sflag:s29], $0x1400  }
0x32: {  	p1 =	por p0, !p1;
	[sflag:s29] =	ssyncset.done @!p0 $0x0  }
0x33: {  	[sflag:s29] =	ssyncadd.s32 @!p0 $0xFFFFEC00;
	s29 =	sadd.s32 @p1 $0x3, s28  }
0x34: {  	s30 =	smul.u32 @p1 $0xAB, s29;
	_ =	sdelay $0x1  }
0x35: {  	s30 =	sshrl.u32 @p1 s30, $0xA  }
0x36: {  	s30 =	sand.u32 @p1 $0x3F, s30  }
0x37: {  	s30 =	smul.u32 @p1 $0x6, s30;
	_ =	sdelay $0x1  }
0x38: {  	s29 =	ssub.s32 @p1 s29, s30  }
0x39: {  	s29 =	sand.u32 @p1 $0xFF, s29  }
0x3a: {  	s30 =	smul.u32 @p1 $0x5000, s29;
	_ =	sdelay $0x1  }
0x3b: {  	s30 =	sshrl.u32 @p1 s30, $0x2  }
0x3c: {  	s29 =	sadd.s32 @p1 $0x1, s29;
	s30 =	sadd.s32 @p1 $0x4E20, s30  }
0x3d: {  	[tilespmem:s30], [sflag:s29] =	stream.indirect.gather @p1 [hbm4b:s4+s16], $0x40, s26, s16, $0xb8;
	[tilespmem:$0x18D30] =	vst v63  }
0x3e: {  	s30 =	smul.u32 $0xAB, s28;
	_ =	sdelay $0x1  }
0x3f: {  	s29 =	sshrl.u32 s30, $0xA  }
0x40: {  	s29 =	sand.u32 $0x3F, s29  }
0x41: {  	s29 =	smul.u32 $0x6, s29;
	_ =	sdelay $0x1  }
0x42: {  	s29 =	ssub.s32 s28, s29  }
0x43: {  	s29 =	sand.u32 $0xFF, s29  }
0x44: {  	s30 =	sadd.s32 $0x1, s29;
	s31 =	smul.u32 $0x5000, s29  }
0x45: {  	_ =	swait.ge [sflag:s30], $0x1400  }
0x46: {  	[sflag:s30] =	ssyncset.done $0x0;
	s31 =	sshrl.u32 s31, $0x2  }
0x47: {  	s29 =	sadd.s32 $0x7, s29;
	[sflag:s30] =	ssyncadd.s32 $0xFFFFEC00;
	s31 =	sadd.s32 $0x4E20, s31  }
0x48: {  	[spmem:s2] =	stream.indirect.scatter.add.f32 [tilespmem:s31], [sflag:s29], $0x40, s25, s16, $0xb8;
	[tilespmem:$0x18D30] =	vst v63  }
0x49: {  	v1 =	vld [tilespmem:s25+$0x0];
	_ =	sdelay $0x7  }
0x4a: {  	[tilespmem:v1+s15+$0x0] =	vst.idx.add.f32.msk $0xffff, v0  }
0x4b: {  	v1 =	vld [tilespmem:s25+$0x10];
	_ =	sdelay $0x7  }
0x4c: {  	[tilespmem:v1+s15+$0x0] =	vst.idx.add.f32.msk $0xffff, v0  }
0x4d: {  	v1 =	vld [tilespmem:s25+$0x20];
	_ =	sdelay $0x7  }
0x4e: {  	[tilespmem:v1+s15+$0x0] =	vst.idx.add.f32.msk $0xffff, v0  }
0x4f: {  	v1 =	vld [tilespmem:s25+$0x30];
	_ =	sdelay $0x7  }
0x50: {  	[tilespmem:v1+s15+$0x0] =	vst.idx.add.f32.msk $0xffff, v0  }
0x51: {  	v1 =	vld [tilespmem:s25+$0x40];
	_ =	sdelay $0x1  }
0x52: {  	s28 =	sadd.s32 $0x1, s28  }
0x53: {  	p0 =	sne.s32 s28, $0x7D  }
.Ltmp0:
0x54: {  	_ = 	snop;
	(pc) =	sbr.rel @p0 .LBB2_2-.Ltmp0, $2  }
0x55: {  	_ =	sdelay $0x2  }
0x56: {  	s26 =	sadd.s32 $0x50, s26;
	s25 =	sadd.s32 $0x50, s25;
	[tilespmem:v1+s15+$0x0] =	vst.idx.add.f32.msk $0xffff, v0  }
0x57: {  	_ =	swait.ge [sflag:s21], $0x1400  }
0x58: {  	[sflag:s21] =	ssyncset.done $0x0  }
0x59: {  	[sflag:s21] =	ssyncadd.s32 $0xFFFFEC00  }
0x5a: {  	_ =	swait.ge [sflag:s22], $0x1400  }
0x5b: {  	[sflag:s22] =	ssyncset.done $0x0  }
0x5c: {  	[sflag:s22] =	ssyncadd.s32 $0xFFFFEC00  }
0x5d: {  	_ =	swait.ge [sflag:s23], $0x1400  }
0x5e: {  	[sflag:s23] =	ssyncset.done $0x0  }
0x5f: {  	[sflag:s23] =	ssyncadd.s32 $0xFFFFEC00  }
0x60: {  	[hbm4b:s9+s3] =	stream.linear.scatter [tilespmem:s15], [sflag:$0xD], $0x2710, $0x38;
	[tilespmem:$0x18D30] =	vst v63  }
0x61: {  	_ =	swait.ge [sflag:s12], $0x2710  }
0x62: {  	s24 =	sadd.s32 $0x1, s24;
	[sflag:s12] =	ssyncset.done $0x0  }
0x63: {  	p0 =	sne.s32 s24, s11;
	[sflag:s12] =	ssyncadd.s32 $0xFFFFD8F0  }
.Ltmp1:
0x64: {  	[bflag:$0x0] =	sbarrier.arrive $0xFFFF;
	(pc) =	sbr.rel @p0 .LBB2_1-.Ltmp1, $4  }
0x65: {  	[hbm:s10], [sflag:s13] =	dma.local [spmem:s14], $0x1400  }
0x66: {  	_ =	swait.ge [sflag:s12], $0x1400  }
0x67: {  	[sflag:s12] =	ssyncset.done $0x0  }
0x68: {  	[sflag:s12] =	ssyncadd.s32 $0xFFFFEC00  }
0x69: {  	_ =	sfence.sel $0x180000  }
0x6a: {  	[bflag:$0x0] =	sbarrier.arrive $0xFFFF  }
0x6b: {  	p0 =	sne.s32 s1, $0x0;
	_ =	strace $0x90000047  }
0x6c: {  	s0 =	sadd.s32 @!p0 $0x100000, s0;
	[bflag:$0x2] =	sbarrier.arrive $0xFFFF  }
0x6d: {  	[sflag:s0] =	ssyncadd.tile.s32 @!p0 $0x1;
	_ =	shalt  }
.Lfunc_end2:
_tile_overlayer_lowered:
.L_overlay_start_2:
0x6e: {  	(tag) =	ssettag $0x2  }
0x6f: {  	s0 =	rddreg [dreg:$0x0];
	s2 =	stileid.u32  }
0x70: {  	s1 =	rddreg [dreg:$0x1];
	p0 =	sne.s32 s2, $0x0  }
0x71: {  	s3 =	rddreg [dreg:$0x2];
	[bflag:$0x3] =	sbarrier.arrive $0xFFFF;
	s2 =	simm.s32 @!p0 $0x1C0D  }
0x72: {  	[timem:s3], [sflag:s2] =	dma.local @!p0 [hbm:s0], s1  }
0x73: {  	s0 =	simm.s32 @!p0 $0xD  }
0x74: {  	_ =	swait.ge @!p0 [sflag:s0], s1  }
0x75: {  	s1 =	ssub.s32 @!p0 $0x0, s1;
	[sflag:s0] =	ssyncset.done @!p0 $0x0  }
0x76: {  	[sflag:s0] =	ssyncadd.s32 @!p0 s1  }
0x77: {  	[bflag:$0x3] =	sbarrier.arrive $0xFFFF  }
0x78: {  	_ =	shalt  }

</sc_bundles>
